<compile_context>
chip_gen: v7x
topology: tpu7x:2x2x1
jax: 0.10.2.dev20260603
libtpu: 0.0.44.dev20260713+nightly
codegen_flags: <defaults>
</compile_context>

<pallas_src>
import functools

import jax
import jax.numpy as jnp
from jax import lax
from jax.experimental import pallas as pl
from jax.experimental.pallas import tpu as pltpu
from jax.experimental.pallas import tpu_sc as plsc

VOCAB = 100000
EMBED = 128
HIDDEN = 256
BATCH = 4096
SEQ = 200

NC = 2
NS = 16
NW = NC * NS
BPW = BATCH // NW
LANES = 16
NV = EMBED // LANES
SEQ_A = 128
SEQ_B = SEQ - SEQ_A
NBUF = 3


def _accum_row(rows_v, buf, b, pooled_v):

    def body(s, acc):
        return tuple(acc[j] + rows_v[buf, s, pl.ds(LANES * j, LANES)]
                     for j in range(NV))

    init = tuple(jnp.zeros((LANES,), jnp.float32) for _ in range(NV))
    acc = lax.fori_loop(0, SEQ, body, init, unroll=4)
    for j in range(NV):
        pooled_v[b, pl.ds(LANES * j, LANES)] = acc[j]


def _sc_body(idx_hbm, table_hbm, out_hbm,
             idx_v, rows_v, pooled_v, *sems):
    c = lax.axis_index("c")
    s = lax.axis_index("s")
    wid = s * NC + c

    pltpu.sync_copy(idx_hbm.at[pl.ds(wid * BPW, BPW)], idx_v)

    def copies(b, buf):
        return (
            pltpu.make_async_copy(
                table_hbm.at[idx_v.at[b, pl.ds(0, SEQ_A)]],
                rows_v.at[buf].at[pl.ds(0, SEQ_A)],
                sems[buf]),
            pltpu.make_async_copy(
                table_hbm.at[idx_v.at[b, pl.ds(SEQ_A, SEQ_B)]],
                rows_v.at[buf].at[pl.ds(SEQ_A, SEQ_B)],
                sems[buf]),
        )

    def issue(b, buf):
        for cpy in copies(b, buf):
            cpy.start()

    def drain(b, buf):
        pltpu.make_async_copy(
            table_hbm.at[pl.ds(0, SEQ)], rows_v.at[buf], sems[buf]).wait()

    for k in range(NBUF):
        issue(k, k)

    def outer(i, carry):
        for k in range(NBUF):
            b = NBUF * i + k
            drain(b, k)
            _accum_row(rows_v, k, b, pooled_v)

            @pl.when(b + NBUF < BPW)
            def _():
                issue(b + NBUF, k)

        return carry

    lax.fori_loop(0, BPW // NBUF, outer, 0)
    for b in range(BPW - BPW % NBUF, BPW):
        k = b % NBUF
        drain(b, k)
        _accum_row(rows_v, k, b, pooled_v)

    pltpu.sync_copy(pooled_v, out_hbm.at[pl.ds(wid * BPW, BPW)])


@functools.cache
def _gather_sum():
    return pl.kernel(
        _sc_body,
        out_type=jax.ShapeDtypeStruct((BATCH, EMBED), jnp.float32),
        mesh=plsc.VectorSubcoreMesh(core_axis_name="c", subcore_axis_name="s",
                                    num_cores=NC, num_subcores=NS),
        scratch_types=[
            pltpu.VMEM((BPW, SEQ), jnp.int32),
            pltpu.VMEM((NBUF, SEQ, EMBED), jnp.float32),
            pltpu.VMEM((BPW, EMBED), jnp.float32),
        ] + [pltpu.SemaphoreType.DMA] * NBUF,
    )


def _fc_body(p_ref, w_ref, b_ref, o_ref):
    acc = jnp.dot(p_ref[...], w_ref[...], preferred_element_type=jnp.float32)
    o_ref[...] = jnp.maximum(acc + b_ref[...], 0.0)


_TB = 1024

_fc_relu = pl.pallas_call(
    _fc_body,
    grid=(BATCH // _TB,),
    in_specs=[
        pl.BlockSpec((_TB, EMBED), lambda i: (i, 0)),
        pl.BlockSpec((EMBED, HIDDEN), lambda i: (0, 0)),
        pl.BlockSpec((1, HIDDEN), lambda i: (0, 0)),
    ],
    out_specs=pl.BlockSpec((_TB, HIDDEN), lambda i: (i, 0)),
    out_shape=jax.ShapeDtypeStruct((BATCH, HIDDEN), jnp.float32),
)


def kernel(token_ids, emb_table, fc_w, fc_b):
    pooled = _gather_sum()(token_ids, emb_table)
    wt = fc_w.T * jnp.float32(1.0 / SEQ)
    return _fc_relu(pooled, wt, fc_b.reshape(1, HIDDEN))

# --- scband reference (transcript-rebuilt; emitter-appended) ---
"""Pipeline reference for scband-text-encoder-28707561407255 (READ-ONLY COPY).

The authoritative reference and input builder live on the scoring server;
editing this copy changes nothing except your own understanding.
"""

import jax, jax.numpy as jnp
import numpy as np

VOCAB = 100000
EMBED_DIM = 128
HIDDEN_DIM = 256
BATCH = 4096
SEQ = 200

def setup_inputs(seed: int = 0) -> dict:
    key = jax.random.key(seed)
    k1, k2, k3, k4 = jax.random.split(key, 4)
    token_ids = jax.random.randint(k1, (BATCH, SEQ), 0, VOCAB, dtype=jnp.int64 if jax.config.jax_enable_x64 else jnp.int32)
    emb_table = jax.random.normal(k2, (VOCAB, EMBED_DIM), dtype=jnp.float32)
    fc_w = jax.random.normal(k3, (HIDDEN_DIM, EMBED_DIM), dtype=jnp.float32) * (1.0 / np.sqrt(EMBED_DIM))
    fc_b = jax.random.normal(k4, (HIDDEN_DIM,), dtype=jnp.float32) * 0.01
    return {"token_ids": token_ids, "emb_table": emb_table, "fc_w": fc_w, "fc_b": fc_b}

def reference(token_ids, emb_table, fc_w, fc_b):
    # nn.EmbeddingBag(mode='mean'): gather rows then mean over seq dim
    embedded = jnp.take(emb_table, token_ids, axis=0)          # (B, S, E)
    pooled = jnp.mean(embedded, axis=1)                        # (B, E)
    out = pooled @ fc_w.T + fc_b                               # (B, H)
    return jax.nn.relu(out)

if __name__ == "__main__":
    import jax
    _d = setup_inputs()
    print(jax.jit(kernel)(*tuple(_d.values())))

</pallas_src>

<mosaic_0001>
#map = affine_map<(d0, d1) -> (0, 0)>
module attributes {stable_mosaic.version = 14 : i64} {
  func.func @_sc_body(%arg0: i32, %arg1: i32, %arg2: memref<4096x200xi32, #tpu.memory_space<hbm>>, %arg3: memref<100000x128xf32, #tpu.memory_space<hbm>>, %arg4: memref<4096x128xf32, #tpu.memory_space<hbm>>, %arg5: memref<128x200xi32, #tpu.memory_space<vmem>>, %arg6: memref<3x200x128xf32, #tpu.memory_space<vmem>>, %arg7: memref<128x128xf32, #tpu.memory_space<vmem>>, %arg8: memref<!tpu.dma_semaphore, #tpu.memory_space<semaphore_mem>>, %arg9: memref<!tpu.dma_semaphore, #tpu.memory_space<semaphore_mem>>, %arg10: memref<!tpu.dma_semaphore, #tpu.memory_space<semaphore_mem>>) attributes {dimension_semantics = [#tpu.dimension_semantics<core_parallel>, #tpu.dimension_semantics<subcore_parallel>], iteration_bounds = array<i64: 2, 16>, scalar_prefetch = 0 : i64, scratch_operands = 6 : i64, tpu.core_type = #tpu.core_type<sc_vector_subcore>, window_params = [{transform_indices = #map}, {transform_indices = #map}, {transform_indices = #map}]} {
    %mul3A = arith.constant 2 : i32
    %mul3A_0 = arith.muli %arg1, %mul3A : i32
    %add3A = arith.addi %mul3A_0, %arg0 : i32
    %mul3A_1 = arith.constant 128 : i32
    %mul3A_2 = arith.muli %add3A, %mul3A_1 : i32
    "tpu.region"() ({
      %run_scoped3A = tpu.sem_alloc : memref<!tpu.dma_semaphore, #tpu.memory_space<semaphore_mem>>
      %dma_start3A_266 = arith.constant 0 : i32
      %dma_start3A_267 = tpu.memref_slice %arg2[%mul3A_2, %dma_start3A_266] : memref<4096x200xi32, #tpu.memory_space<hbm>> -> memref<128x200xi32, #tpu.memory_space<hbm>>
      %dma_start3A_268 = arith.constant 0 : i32
      %dma_start3A_269 = tpu.memref_slice %arg2[%mul3A_2, %dma_start3A_268] : memref<4096x200xi32, #tpu.memory_space<hbm>> -> memref<128x200xi32, #tpu.memory_space<hbm>>
      tpu.enqueue_dma source(%dma_start3A_269 : memref<128x200xi32, #tpu.memory_space<hbm>>) target(%arg5 : memref<128x200xi32, #tpu.memory_space<vmem>>) target_semaphore(%run_scoped3A : memref<!tpu.dma_semaphore, #tpu.memory_space<semaphore_mem>>)
      %dma_wait3A_270 = arith.constant 0 : i32
      %dma_wait3A_271 = tpu.memref_slice %arg2[%mul3A_2, %dma_wait3A_270] : memref<4096x200xi32, #tpu.memory_space<hbm>> -> memref<128x200xi32, #tpu.memory_space<hbm>>
      %dma_wait3A_272 = arith.constant 0 : i32
      %dma_wait3A_273 = tpu.memref_slice %arg2[%mul3A_2, %dma_wait3A_272] : memref<4096x200xi32, #tpu.memory_space<hbm>> -> memref<128x200xi32, #tpu.memory_space<hbm>>
      tpu.wait_dma2 semaphore(%run_scoped3A : memref<!tpu.dma_semaphore, #tpu.memory_space<semaphore_mem>>) src(%dma_wait3A_273 : memref<128x200xi32, #tpu.memory_space<hbm>>) dst(%arg5 : memref<128x200xi32, #tpu.memory_space<vmem>>)
      tpu.yield
    }) : () -> ()
    %dma_start3A = arith.constant 0 : i32
    %dma_start3A_3 = arith.constant 0 : i32
    %dma_start3A_4 = arith.constant 0 : i32
    %dma_start3A_5 = arith.constant 0 : i32
    %dma_start3A_6 = tpu.memref_slice %arg6[%dma_start3A_3, %dma_start3A_4, %dma_start3A_5] : memref<3x200x128xf32, #tpu.memory_space<vmem>> -> memref<1x200x128xf32, #tpu.memory_space<vmem>>
    %dma_start3A_7 = tpu.memref_squeeze %dma_start3A_6 : memref<1x200x128xf32, #tpu.memory_space<vmem>> -> memref<200x128xf32, #tpu.memory_space<vmem>>
    %dma_start3A_8 = arith.constant 0 : i32
    %dma_start3A_9 = arith.constant 0 : i32
    %dma_start3A_10 = tpu.memref_slice %dma_start3A_7[%dma_start3A_8, %dma_start3A_9] : memref<200x128xf32, #tpu.memory_space<vmem>> -> memref<128x128xf32, #tpu.memory_space<vmem>>
    %dma_start3A_11 = arith.constant 0 : i32
    %dma_start3A_12 = tpu.memref_slice %arg5[%dma_start3A, %dma_start3A_11] : memref<128x200xi32, #tpu.memory_space<vmem>> -> memref<1x128xi32, #tpu.memory_space<vmem>>
    %dma_start3A_13 = tpu.memref_squeeze %dma_start3A_12 : memref<1x128xi32, #tpu.memory_space<vmem>> -> memref<128xi32, #tpu.memory_space<vmem>>
    %dma_start3A_14 = arith.constant 0 : i32
    %dma_start3A_15 = arith.constant 0 : i32
    %dma_start3A_16 = tpu.memref_slice %arg3[%dma_start3A_14, %dma_start3A_15] : memref<100000x128xf32, #tpu.memory_space<hbm>> -> memref<100000x128xf32, #tpu.memory_space<hbm>>
    tpu.enqueue_indirect_dma source(%dma_start3A_16 : memref<100000x128xf32, #tpu.memory_space<hbm>>) target(%dma_start3A_10 : memref<128x128xf32, #tpu.memory_space<vmem>>) offsets(%dma_start3A_13 : memref<128xi32, #tpu.memory_space<vmem>>) semaphore(%arg8 : memref<!tpu.dma_semaphore, #tpu.memory_space<semaphore_mem>>)
    %dma_start3A_17 = arith.constant 0 : i32
    %dma_start3A_18 = arith.constant 0 : i32
    %dma_start3A_19 = arith.constant 0 : i32
    %dma_start3A_20 = arith.constant 0 : i32
    %dma_start3A_21 = tpu.memref_slice %arg6[%dma_start3A_18, %dma_start3A_19, %dma_start3A_20] : memref<3x200x128xf32, #tpu.memory_space<vmem>> -> memref<1x200x128xf32, #tpu.memory_space<vmem>>
    %dma_start3A_22 = tpu.memref_squeeze %dma_start3A_21 : memref<1x200x128xf32, #tpu.memory_space<vmem>> -> memref<200x128xf32, #tpu.memory_space<vmem>>
    %dma_start3A_23 = arith.constant 128 : i32
    %dma_start3A_24 = arith.constant 0 : i32
    %dma_start3A_25 = tpu.memref_slice %dma_start3A_22[%dma_start3A_23, %dma_start3A_24] : memref<200x128xf32, #tpu.memory_space<vmem>> -> memref<72x128xf32, #tpu.memory_space<vmem>>
    %dma_start3A_26 = arith.constant 128 : i32
    %dma_start3A_27 = tpu.memref_slice %arg5[%dma_start3A_17, %dma_start3A_26] : memref<128x200xi32, #tpu.memory_space<vmem>> -> memref<1x72xi32, #tpu.memory_space<vmem>>
    %dma_start3A_28 = tpu.memref_squeeze %dma_start3A_27 : memref<1x72xi32, #tpu.memory_space<vmem>> -> memref<72xi32, #tpu.memory_space<vmem>>
    %dma_start3A_29 = arith.constant 0 : i32
    %dma_start3A_30 = arith.constant 0 : i32
    %dma_start3A_31 = tpu.memref_slice %arg3[%dma_start3A_29, %dma_start3A_30] : memref<100000x128xf32, #tpu.memory_space<hbm>> -> memref<100000x128xf32, #tpu.memory_space<hbm>>
    tpu.enqueue_indirect_dma source(%dma_start3A_31 : memref<100000x128xf32, #tpu.memory_space<hbm>>) target(%dma_start3A_25 : memref<72x128xf32, #tpu.memory_space<vmem>>) offsets(%dma_start3A_28 : memref<72xi32, #tpu.memory_space<vmem>>) semaphore(%arg8 : memref<!tpu.dma_semaphore, #tpu.memory_space<semaphore_mem>>)
    %dma_start3A_32 = arith.constant 1 : i32
    %dma_start3A_33 = arith.constant 1 : i32
    %dma_start3A_34 = arith.constant 0 : i32
    %dma_start3A_35 = arith.constant 0 : i32
    %dma_start3A_36 = tpu.memref_slice %arg6[%dma_start3A_33, %dma_start3A_34, %dma_start3A_35] : memref<3x200x128xf32, #tpu.memory_space<vmem>> -> memref<1x200x128xf32, #tpu.memory_space<vmem>>
    %dma_start3A_37 = tpu.memref_squeeze %dma_start3A_36 : memref<1x200x128xf32, #tpu.memory_space<vmem>> -> memref<200x128xf32, #tpu.memory_space<vmem>>
    %dma_start3A_38 = arith.constant 0 : i32
    %dma_start3A_39 = arith.constant 0 : i32
    %dma_start3A_40 = tpu.memref_slice %dma_start3A_37[%dma_start3A_38, %dma_start3A_39] : memref<200x128xf32, #tpu.memory_space<vmem>> -> memref<128x128xf32, #tpu.memory_space<vmem>>
    %dma_start3A_41 = arith.constant 0 : i32
    %dma_start3A_42 = tpu.memref_slice %arg5[%dma_start3A_32, %dma_start3A_41] : memref<128x200xi32, #tpu.memory_space<vmem>> -> memref<1x128xi32, #tpu.memory_space<vmem>>
    %dma_start3A_43 = tpu.memref_squeeze %dma_start3A_42 : memref<1x128xi32, #tpu.memory_space<vmem>> -> memref<128xi32, #tpu.memory_space<vmem>>
    %dma_start3A_44 = arith.constant 0 : i32
    %dma_start3A_45 = arith.constant 0 : i32
    %dma_start3A_46 = tpu.memref_slice %arg3[%dma_start3A_44, %dma_start3A_45] : memref<100000x128xf32, #tpu.memory_space<hbm>> -> memref<100000x128xf32, #tpu.memory_space<hbm>>
    tpu.enqueue_indirect_dma source(%dma_start3A_46 : memref<100000x128xf32, #tpu.memory_space<hbm>>) target(%dma_start3A_40 : memref<128x128xf32, #tpu.memory_space<vmem>>) offsets(%dma_start3A_43 : memref<128xi32, #tpu.memory_space<vmem>>) semaphore(%arg9 : memref<!tpu.dma_semaphore, #tpu.memory_space<semaphore_mem>>)
    %dma_start3A_47 = arith.constant 1 : i32
    %dma_start3A_48 = arith.constant 1 : i32
    %dma_start3A_49 = arith.constant 0 : i32
    %dma_start3A_50 = arith.constant 0 : i32
    %dma_start3A_51 = tpu.memref_slice %arg6[%dma_start3A_48, %dma_start3A_49, %dma_start3A_50] : memref<3x200x128xf32, #tpu.memory_space<vmem>> -> memref<1x200x128xf32, #tpu.memory_space<vmem>>
    %dma_start3A_52 = tpu.memref_squeeze %dma_start3A_51 : memref<1x200x128xf32, #tpu.memory_space<vmem>> -> memref<200x128xf32, #tpu.memory_space<vmem>>
    %dma_start3A_53 = arith.constant 128 : i32
    %dma_start3A_54 = arith.constant 0 : i32
    %dma_start3A_55 = tpu.memref_slice %dma_start3A_52[%dma_start3A_53, %dma_start3A_54] : memref<200x128xf32, #tpu.memory_space<vmem>> -> memref<72x128xf32, #tpu.memory_space<vmem>>
    %dma_start3A_56 = arith.constant 128 : i32
    %dma_start3A_57 = tpu.memref_slice %arg5[%dma_start3A_47, %dma_start3A_56] : memref<128x200xi32, #tpu.memory_space<vmem>> -> memref<1x72xi32, #tpu.memory_space<vmem>>
    %dma_start3A_58 = tpu.memref_squeeze %dma_start3A_57 : memref<1x72xi32, #tpu.memory_space<vmem>> -> memref<72xi32, #tpu.memory_space<vmem>>
    %dma_start3A_59 = arith.constant 0 : i32
    %dma_start3A_60 = arith.constant 0 : i32
    %dma_start3A_61 = tpu.memref_slice %arg3[%dma_start3A_59, %dma_start3A_60] : memref<100000x128xf32, #tpu.memory_space<hbm>> -> memref<100000x128xf32, #tpu.memory_space<hbm>>
    tpu.enqueue_indirect_dma source(%dma_start3A_61 : memref<100000x128xf32, #tpu.memory_space<hbm>>) target(%dma_start3A_55 : memref<72x128xf32, #tpu.memory_space<vmem>>) offsets(%dma_start3A_58 : memref<72xi32, #tpu.memory_space<vmem>>) semaphore(%arg9 : memref<!tpu.dma_semaphore, #tpu.memory_space<semaphore_mem>>)
    %dma_start3A_62 = arith.constant 2 : i32
    %dma_start3A_63 = arith.constant 2 : i32
    %dma_start3A_64 = arith.constant 0 : i32
    %dma_start3A_65 = arith.constant 0 : i32
    %dma_start3A_66 = tpu.memref_slice %arg6[%dma_start3A_63, %dma_start3A_64, %dma_start3A_65] : memref<3x200x128xf32, #tpu.memory_space<vmem>> -> memref<1x200x128xf32, #tpu.memory_space<vmem>>
    %dma_start3A_67 = tpu.memref_squeeze %dma_start3A_66 : memref<1x200x128xf32, #tpu.memory_space<vmem>> -> memref<200x128xf32, #tpu.memory_space<vmem>>
    %dma_start3A_68 = arith.constant 0 : i32
    %dma_start3A_69 = arith.constant 0 : i32
    %dma_start3A_70 = tpu.memref_slice %dma_start3A_67[%dma_start3A_68, %dma_start3A_69] : memref<200x128xf32, #tpu.memory_space<vmem>> -> memref<128x128xf32, #tpu.memory_space<vmem>>
    %dma_start3A_71 = arith.constant 0 : i32
    %dma_start3A_72 = tpu.memref_slice %arg5[%dma_start3A_62, %dma_start3A_71] : memref<128x200xi32, #tpu.memory_space<vmem>> -> memref<1x128xi32, #tpu.memory_space<vmem>>
    %dma_start3A_73 = tpu.memref_squeeze %dma_start3A_72 : memref<1x128xi32, #tpu.memory_space<vmem>> -> memref<128xi32, #tpu.memory_space<vmem>>
    %dma_start3A_74 = arith.constant 0 : i32
    %dma_start3A_75 = arith.constant 0 : i32
    %dma_start3A_76 = tpu.memref_slice %arg3[%dma_start3A_74, %dma_start3A_75] : memref<100000x128xf32, #tpu.memory_space<hbm>> -> memref<100000x128xf32, #tpu.memory_space<hbm>>
    tpu.enqueue_indirect_dma source(%dma_start3A_76 : memref<100000x128xf32, #tpu.memory_space<hbm>>) target(%dma_start3A_70 : memref<128x128xf32, #tpu.memory_space<vmem>>) offsets(%dma_start3A_73 : memref<128xi32, #tpu.memory_space<vmem>>) semaphore(%arg10 : memref<!tpu.dma_semaphore, #tpu.memory_space<semaphore_mem>>)
    %dma_start3A_77 = arith.constant 2 : i32
    %dma_start3A_78 = arith.constant 2 : i32
    %dma_start3A_79 = arith.constant 0 : i32
    %dma_start3A_80 = arith.constant 0 : i32
    %dma_start3A_81 = tpu.memref_slice %arg6[%dma_start3A_78, %dma_start3A_79, %dma_start3A_80] : memref<3x200x128xf32, #tpu.memory_space<vmem>> -> memref<1x200x128xf32, #tpu.memory_space<vmem>>
    %dma_start3A_82 = tpu.memref_squeeze %dma_start3A_81 : memref<1x200x128xf32, #tpu.memory_space<vmem>> -> memref<200x128xf32, #tpu.memory_space<vmem>>
    %dma_start3A_83 = arith.constant 128 : i32
    %dma_start3A_84 = arith.constant 0 : i32
    %dma_start3A_85 = tpu.memref_slice %dma_start3A_82[%dma_start3A_83, %dma_start3A_84] : memref<200x128xf32, #tpu.memory_space<vmem>> -> memref<72x128xf32, #tpu.memory_space<vmem>>
    %dma_start3A_86 = arith.constant 128 : i32
    %dma_start3A_87 = tpu.memref_slice %arg5[%dma_start3A_77, %dma_start3A_86] : memref<128x200xi32, #tpu.memory_space<vmem>> -> memref<1x72xi32, #tpu.memory_space<vmem>>
    %dma_start3A_88 = tpu.memref_squeeze %dma_start3A_87 : memref<1x72xi32, #tpu.memory_space<vmem>> -> memref<72xi32, #tpu.memory_space<vmem>>
    %dma_start3A_89 = arith.constant 0 : i32
    %dma_start3A_90 = arith.constant 0 : i32
    %dma_start3A_91 = tpu.memref_slice %arg3[%dma_start3A_89, %dma_start3A_90] : memref<100000x128xf32, #tpu.memory_space<hbm>> -> memref<100000x128xf32, #tpu.memory_space<hbm>>
    tpu.enqueue_indirect_dma source(%dma_start3A_91 : memref<100000x128xf32, #tpu.memory_space<hbm>>) target(%dma_start3A_85 : memref<72x128xf32, #tpu.memory_space<vmem>>) offsets(%dma_start3A_88 : memref<72xi32, #tpu.memory_space<vmem>>) semaphore(%arg10 : memref<!tpu.dma_semaphore, #tpu.memory_space<semaphore_mem>>)
    %scan3A = arith.constant 0 : i32
    %scan3A_92 = arith.constant 0 : i32
    %scan3A_93 = arith.constant 42 : i32
    %scan3A_94 = arith.addi %scan3A_92, %scan3A_93 : i32
    %scan3A_95 = arith.constant 1 : i32
    scf.for %scan3A_266 = %scan3A_92 to %scan3A_94 step %scan3A_95  : i32 {
      %mul3A_267 = arith.constant 3 : i32
      %mul3A_268 = arith.muli %mul3A_267, %scan3A_266 : i32
      %add3A_269 = arith.constant 0 : i32
      %add3A_270 = arith.addi %mul3A_268, %add3A_269 : i32
      %dma_wait3A_271 = arith.constant 0 : i32
      %dma_wait3A_272 = arith.constant 0 : i32
      %dma_wait3A_273 = arith.constant 0 : i32
      %dma_wait3A_274 = tpu.memref_slice %arg6[%dma_wait3A_271, %dma_wait3A_272, %dma_wait3A_273] : memref<3x200x128xf32, #tpu.memory_space<vmem>> -> memref<1x200x128xf32, #tpu.memory_space<vmem>>
      %dma_wait3A_275 = tpu.memref_squeeze %dma_wait3A_274 : memref<1x200x128xf32, #tpu.memory_space<vmem>> -> memref<200x128xf32, #tpu.memory_space<vmem>>
      %dma_wait3A_276 = arith.constant 0 : i32
      %dma_wait3A_277 = arith.constant 0 : i32
      %dma_wait3A_278 = tpu.memref_slice %arg3[%dma_wait3A_276, %dma_wait3A_277] : memref<100000x128xf32, #tpu.memory_space<hbm>> -> memref<200x128xf32, #tpu.memory_space<hbm>>
      %dma_wait3A_279 = arith.constant 0 : i32
      %dma_wait3A_280 = arith.constant 0 : i32
      %dma_wait3A_281 = tpu.memref_slice %arg6[%dma_wait3A_271, %dma_wait3A_279, %dma_wait3A_280] : memref<3x200x128xf32, #tpu.memory_space<vmem>> -> memref<1x200x128xf32, #tpu.memory_space<vmem>>
      %dma_wait3A_282 = tpu.memref_squeeze %dma_wait3A_281 : memref<1x200x128xf32, #tpu.memory_space<vmem>> -> memref<200x128xf32, #tpu.memory_space<vmem>>
      %dma_wait3A_283 = arith.constant 0 : i32
      %dma_wait3A_284 = arith.constant 0 : i32
      %dma_wait3A_285 = tpu.memref_slice %arg3[%dma_wait3A_283, %dma_wait3A_284] : memref<100000x128xf32, #tpu.memory_space<hbm>> -> memref<200x128xf32, #tpu.memory_space<hbm>>
      tpu.wait_dma2 semaphore(%arg8 : memref<!tpu.dma_semaphore, #tpu.memory_space<semaphore_mem>>) src(%dma_wait3A_285 : memref<200x128xf32, #tpu.memory_space<hbm>>) dst(%dma_wait3A_282 : memref<200x128xf32, #tpu.memory_space<vmem>>)
      %broadcast_in_dim3A_286 = arith.constant 0.000000e+00 : f32
      %broadcast_in_dim3A_287 = vector.broadcast %broadcast_in_dim3A_286 : f32 to vector<16xf32>
      %broadcast_in_dim3A_288 = arith.constant 0.000000e+00 : f32
      %broadcast_in_dim3A_289 = vector.broadcast %broadcast_in_dim3A_288 : f32 to vector<16xf32>
      %broadcast_in_dim3A_290 = arith.constant 0.000000e+00 : f32
      %broadcast_in_dim3A_291 = vector.broadcast %broadcast_in_dim3A_290 : f32 to vector<16xf32>
      %broadcast_in_dim3A_292 = arith.constant 0.000000e+00 : f32
      %broadcast_in_dim3A_293 = vector.broadcast %broadcast_in_dim3A_292 : f32 to vector<16xf32>
      %broadcast_in_dim3A_294 = arith.constant 0.000000e+00 : f32
      %broadcast_in_dim3A_295 = vector.broadcast %broadcast_in_dim3A_294 : f32 to vector<16xf32>
      %broadcast_in_dim3A_296 = arith.constant 0.000000e+00 : f32
      %broadcast_in_dim3A_297 = vector.broadcast %broadcast_in_dim3A_296 : f32 to vector<16xf32>
      %broadcast_in_dim3A_298 = arith.constant 0.000000e+00 : f32
      %broadcast_in_dim3A_299 = vector.broadcast %broadcast_in_dim3A_298 : f32 to vector<16xf32>
      %broadcast_in_dim3A_300 = arith.constant 0.000000e+00 : f32
      %broadcast_in_dim3A_301 = vector.broadcast %broadcast_in_dim3A_300 : f32 to vector<16xf32>
      %scan3A_302 = arith.constant 0 : i32
      %scan3A_303 = arith.constant 200 : i32
      %scan3A_304 = arith.addi %scan3A_302, %scan3A_303 : i32
      %scan3A_305 = arith.constant 4 : i32
      %scan3A_306:8 = scf.for %scan3A_528 = %scan3A_302 to %scan3A_304 step %scan3A_305 iter_args(%scan3A_529 = %broadcast_in_dim3A_287, %scan3A_530 = %broadcast_in_dim3A_289, %scan3A_531 = %broadcast_in_dim3A_291, %scan3A_532 = %broadcast_in_dim3A_293, %scan3A_533 = %broadcast_in_dim3A_295, %scan3A_534 = %broadcast_in_dim3A_297, %scan3A_535 = %broadcast_in_dim3A_299, %scan3A_536 = %broadcast_in_dim3A_301) -> (vector<16xf32>, vector<16xf32>, vector<16xf32>, vector<16xf32>, vector<16xf32>, vector<16xf32>, vector<16xf32>, vector<16xf32>)  : i32 {
        %get3A = arith.constant 0 : i32
        %get3A_537 = arith.index_cast %get3A : i32 to index
        %get3A_538 = arith.index_cast %scan3A_528 : i32 to index
        %get3A_539 = arith.constant 0 : index
        %get3A_540 = tpu.vector_load %arg6[%get3A_537, %get3A_538, %get3A_539] {strides = array<i32>} : memref<3x200x128xf32, #tpu.memory_space<vmem>>, vector<1x1x16xf32>,
        %get3A_541 = vector.shape_cast %get3A_540 : vector<1x1x16xf32> to vector<16xf32>
        %add3A_542 = arith.addf %scan3A_529, %get3A_541 : vector<16xf32>
        %get3A_543 = arith.constant 0 : i32
        %get3A_544 = arith.index_cast %get3A_543 : i32 to index
        %get3A_545 = arith.index_cast %scan3A_528 : i32 to index
        %get3A_546 = arith.constant 16 : index
        %get3A_547 = tpu.vector_load %arg6[%get3A_544, %get3A_545, %get3A_546] {strides = array<i32>} : memref<3x200x128xf32, #tpu.memory_space<vmem>>, vector<1x1x16xf32>,
        %get3A_548 = vector.shape_cast %get3A_547 : vector<1x1x16xf32> to vector<16xf32>
        %add3A_549 = arith.addf %scan3A_530, %get3A_548 : vector<16xf32>
        %get3A_550 = arith.constant 0 : i32
        %get3A_551 = arith.index_cast %get3A_550 : i32 to index
        %get3A_552 = arith.index_cast %scan3A_528 : i32 to index
        %get3A_553 = arith.constant 32 : index
        %get3A_554 = tpu.vector_load %arg6[%get3A_551, %get3A_552, %get3A_553] {strides = array<i32>} : memref<3x200x128xf32, #tpu.memory_space<vmem>>, vector<1x1x16xf32>,
        %get3A_555 = vector.shape_cast %get3A_554 : vector<1x1x16xf32> to vector<16xf32>
        %add3A_556 = arith.addf %scan3A_531, %get3A_555 : vector<16xf32>
        %get3A_557 = arith.constant 0 : i32
        %get3A_558 = arith.index_cast %get3A_557 : i32 to index
        %get3A_559 = arith.index_cast %scan3A_528 : i32 to index
        %get3A_560 = arith.constant 48 : index
        %get3A_561 = tpu.vector_load %arg6[%get3A_558, %get3A_559, %get3A_560] {strides = array<i32>} : memref<3x200x128xf32, #tpu.memory_space<vmem>>, vector<1x1x16xf32>,
        %get3A_562 = vector.shape_cast %get3A_561 : vector<1x1x16xf32> to vector<16xf32>
        %add3A_563 = arith.addf %scan3A_532, %get3A_562 : vector<16xf32>
        %get3A_564 = arith.constant 0 : i32
        %get3A_565 = arith.index_cast %get3A_564 : i32 to index
        %get3A_566 = arith.index_cast %scan3A_528 : i32 to index
        %get3A_567 = arith.constant 64 : index
        %get3A_568 = tpu.vector_load %arg6[%get3A_565, %get3A_566, %get3A_567] {strides = array<i32>} : memref<3x200x128xf32, #tpu.memory_space<vmem>>, vector<1x1x16xf32>,
        %get3A_569 = vector.shape_cast %get3A_568 : vector<1x1x16xf32> to vector<16xf32>
        %add3A_570 = arith.addf %scan3A_533, %get3A_569 : vector<16xf32>
        %get3A_571 = arith.constant 0 : i32
        %get3A_572 = arith.index_cast %get3A_571 : i32 to index
        %get3A_573 = arith.index_cast %scan3A_528 : i32 to index
        %get3A_574 = arith.constant 80 : index
        %get3A_575 = tpu.vector_load %arg6[%get3A_572, %get3A_573, %get3A_574] {strides = array<i32>} : memref<3x200x128xf32, #tpu.memory_space<vmem>>, vector<1x1x16xf32>,
        %get3A_576 = vector.shape_cast %get3A_575 : vector<1x1x16xf32> to vector<16xf32>
        %add3A_577 = arith.addf %scan3A_534, %get3A_576 : vector<16xf32>
        %get3A_578 = arith.constant 0 : i32
        %get3A_579 = arith.index_cast %get3A_578 : i32 to index
        %get3A_580 = arith.index_cast %scan3A_528 : i32 to index
        %get3A_581 = arith.constant 96 : index
        %get3A_582 = tpu.vector_load %arg6[%get3A_579, %get3A_580, %get3A_581] {strides = array<i32>} : memref<3x200x128xf32, #tpu.memory_space<vmem>>, vector<1x1x16xf32>,
        %get3A_583 = vector.shape_cast %get3A_582 : vector<1x1x16xf32> to vector<16xf32>
        %add3A_584 = arith.addf %scan3A_535, %get3A_583 : vector<16xf32>
        %get3A_585 = arith.constant 0 : i32
        %get3A_586 = arith.index_cast %get3A_585 : i32 to index
        %get3A_587 = arith.index_cast %scan3A_528 : i32 to index
        %get3A_588 = arith.constant 112 : index
        %get3A_589 = tpu.vector_load %arg6[%get3A_586, %get3A_587, %get3A_588] {strides = array<i32>} : memref<3x200x128xf32, #tpu.memory_space<vmem>>, vector<1x1x16xf32>,
        %get3A_590 = vector.shape_cast %get3A_589 : vector<1x1x16xf32> to vector<16xf32>
        %add3A_591 = arith.addf %scan3A_536, %get3A_590 : vector<16xf32>
        %scan3A_592 = arith.constant 1 : i32
        %scan3A_593 = arith.addi %scan3A_528, %scan3A_592 : i32
        %get3A_594 = arith.constant 0 : i32
        %get3A_595 = arith.index_cast %get3A_594 : i32 to index
        %get3A_596 = arith.index_cast %scan3A_593 : i32 to index
        %get3A_597 = arith.constant 0 : index
        %get3A_598 = tpu.vector_load %arg6[%get3A_595, %get3A_596, %get3A_597] {strides = array<i32>} : memref<3x200x128xf32, #tpu.memory_space<vmem>>, vector<1x1x16xf32>,
        %get3A_599 = vector.shape_cast %get3A_598 : vector<1x1x16xf32> to vector<16xf32>
        %add3A_600 = arith.addf %add3A_542, %get3A_599 : vector<16xf32>
        %get3A_601 = arith.constant 0 : i32
        %get3A_602 = arith.index_cast %get3A_601 : i32 to index
        %get3A_603 = arith.index_cast %scan3A_593 : i32 to index
        %get3A_604 = arith.constant 16 : index
        %get3A_605 = tpu.vector_load %arg6[%get3A_602, %get3A_603, %get3A_604] {strides = array<i32>} : memref<3x200x128xf32, #tpu.memory_space<vmem>>, vector<1x1x16xf32>,
        %get3A_606 = vector.shape_cast %get3A_605 : vector<1x1x16xf32> to vector<16xf32>
        %add3A_607 = arith.addf %add3A_549, %get3A_606 : vector<16xf32>
        %get3A_608 = arith.constant 0 : i32
        %get3A_609 = arith.index_cast %get3A_608 : i32 to index
        %get3A_610 = arith.index_cast %scan3A_593 : i32 to index
        %get3A_611 = arith.constant 32 : index
        %get3A_612 = tpu.vector_load %arg6[%get3A_609, %get3A_610, %get3A_611] {strides = array<i32>} : memref<3x200x128xf32, #tpu.memory_space<vmem>>, vector<1x1x16xf32>,
        %get3A_613 = vector.shape_cast %get3A_612 : vector<1x1x16xf32> to vector<16xf32>
        %add3A_614 = arith.addf %add3A_556, %get3A_613 : vector<16xf32>
        %get3A_615 = arith.constant 0 : i32
        %get3A_616 = arith.index_cast %get3A_615 : i32 to index
        %get3A_617 = arith.index_cast %scan3A_593 : i32 to index
        %get3A_618 = arith.constant 48 : index
        %get3A_619 = tpu.vector_load %arg6[%get3A_616, %get3A_617, %get3A_618] {strides = array<i32>} : memref<3x200x128xf32, #tpu.memory_space<vmem>>, vector<1x1x16xf32>,
        %get3A_620 = vector.shape_cast %get3A_619 : vector<1x1x16xf32> to vector<16xf32>
        %add3A_621 = arith.addf %add3A_563, %get3A_620 : vector<16xf32>
        %get3A_622 = arith.constant 0 : i32
        %get3A_623 = arith.index_cast %get3A_622 : i32 to index
        %get3A_624 = arith.index_cast %scan3A_593 : i32 to index
        %get3A_625 = arith.constant 64 : index
        %get3A_626 = tpu.vector_load %arg6[%get3A_623, %get3A_624, %get3A_625] {strides = array<i32>} : memref<3x200x128xf32, #tpu.memory_space<vmem>>, vector<1x1x16xf32>,
        %get3A_627 = vector.shape_cast %get3A_626 : vector<1x1x16xf32> to vector<16xf32>
        %add3A_628 = arith.addf %add3A_570, %get3A_627 : vector<16xf32>
        %get3A_629 = arith.constant 0 : i32
        %get3A_630 = arith.index_cast %get3A_629 : i32 to index
        %get3A_631 = arith.index_cast %scan3A_593 : i32 to index
        %get3A_632 = arith.constant 80 : index
        %get3A_633 = tpu.vector_load %arg6[%get3A_630, %get3A_631, %get3A_632] {strides = array<i32>} : memref<3x200x128xf32, #tpu.memory_space<vmem>>, vector<1x1x16xf32>,
        %get3A_634 = vector.shape_cast %get3A_633 : vector<1x1x16xf32> to vector<16xf32>
        %add3A_635 = arith.addf %add3A_577, %get3A_634 : vector<16xf32>
        %get3A_636 = arith.constant 0 : i32
        %get3A_637 = arith.index_cast %get3A_636 : i32 to index
        %get3A_638 = arith.index_cast %scan3A_593 : i32 to index
        %get3A_639 = arith.constant 96 : index
        %get3A_640 = tpu.vector_load %arg6[%get3A_637, %get3A_638, %get3A_639] {strides = array<i32>} : memref<3x200x128xf32, #tpu.memory_space<vmem>>, vector<1x1x16xf32>,
        %get3A_641 = vector.shape_cast %get3A_640 : vector<1x1x16xf32> to vector<16xf32>
        %add3A_642 = arith.addf %add3A_584, %get3A_641 : vector<16xf32>
        %get3A_643 = arith.constant 0 : i32
        %get3A_644 = arith.index_cast %get3A_643 : i32 to index
        %get3A_645 = arith.index_cast %scan3A_593 : i32 to index
        %get3A_646 = arith.constant 112 : index
        %get3A_647 = tpu.vector_load %arg6[%get3A_644, %get3A_645, %get3A_646] {strides = array<i32>} : memref<3x200x128xf32, #tpu.memory_space<vmem>>, vector<1x1x16xf32>,
        %get3A_648 = vector.shape_cast %get3A_647 : vector<1x1x16xf32> to vector<16xf32>
        %add3A_649 = arith.addf %add3A_591, %get3A_648 : vector<16xf32>
        %scan3A_650 = arith.constant 2 : i32
        %scan3A_651 = arith.addi %scan3A_528, %scan3A_650 : i32
        %get3A_652 = arith.constant 0 : i32
        %get3A_653 = arith.index_cast %get3A_652 : i32 to index
        %get3A_654 = arith.index_cast %scan3A_651 : i32 to index
        %get3A_655 = arith.constant 0 : index
        %get3A_656 = tpu.vector_load %arg6[%get3A_653, %get3A_654, %get3A_655] {strides = array<i32>} : memref<3x200x128xf32, #tpu.memory_space<vmem>>, vector<1x1x16xf32>,
        %get3A_657 = vector.shape_cast %get3A_656 : vector<1x1x16xf32> to vector<16xf32>
        %add3A_658 = arith.addf %add3A_600, %get3A_657 : vector<16xf32>
        %get3A_659 = arith.constant 0 : i32
        %get3A_660 = arith.index_cast %get3A_659 : i32 to index
        %get3A_661 = arith.index_cast %scan3A_651 : i32 to index
        %get3A_662 = arith.constant 16 : index
        %get3A_663 = tpu.vector_load %arg6[%get3A_660, %get3A_661, %get3A_662] {strides = array<i32>} : memref<3x200x128xf32, #tpu.memory_space<vmem>>, vector<1x1x16xf32>,
        %get3A_664 = vector.shape_cast %get3A_663 : vector<1x1x16xf32> to vector<16xf32>
        %add3A_665 = arith.addf %add3A_607, %get3A_664 : vector<16xf32>
        %get3A_666 = arith.constant 0 : i32
        %get3A_667 = arith.index_cast %get3A_666 : i32 to index
        %get3A_668 = arith.index_cast %scan3A_651 : i32 to index
        %get3A_669 = arith.constant 32 : index
        %get3A_670 = tpu.vector_load %arg6[%get3A_667, %get3A_668, %get3A_669] {strides = array<i32>} : memref<3x200x128xf32, #tpu.memory_space<vmem>>, vector<1x1x16xf32>,
        %get3A_671 = vector.shape_cast %get3A_670 : vector<1x1x16xf32> to vector<16xf32>
        %add3A_672 = arith.addf %add3A_614, %get3A_671 : vector<16xf32>
        %get3A_673 = arith.constant 0 : i32
        %get3A_674 = arith.index_cast %get3A_673 : i32 to index
        %get3A_675 = arith.index_cast %scan3A_651 : i32 to index
        %get3A_676 = arith.constant 48 : index
        %get3A_677 = tpu.vector_load %arg6[%get3A_674, %get3A_675, %get3A_676] {strides = array<i32>} : memref<3x200x128xf32, #tpu.memory_space<vmem>>, vector<1x1x16xf32>,
        %get3A_678 = vector.shape_cast %get3A_677 : vector<1x1x16xf32> to vector<16xf32>
        %add3A_679 = arith.addf %add3A_621, %get3A_678 : vector<16xf32>
        %get3A_680 = arith.constant 0 : i32
        %get3A_681 = arith.index_cast %get3A_680 : i32 to index
        %get3A_682 = arith.index_cast %scan3A_651 : i32 to index
        %get3A_683 = arith.constant 64 : index
        %get3A_684 = tpu.vector_load %arg6[%get3A_681, %get3A_682, %get3A_683] {strides = array<i32>} : memref<3x200x128xf32, #tpu.memory_space<vmem>>, vector<1x1x16xf32>,
        %get3A_685 = vector.shape_cast %get3A_684 : vector<1x1x16xf32> to vector<16xf32>
        %add3A_686 = arith.addf %add3A_628, %get3A_685 : vector<16xf32>
        %get3A_687 = arith.constant 0 : i32
        %get3A_688 = arith.index_cast %get3A_687 : i32 to index
        %get3A_689 = arith.index_cast %scan3A_651 : i32 to index
        %get3A_690 = arith.constant 80 : index
        %get3A_691 = tpu.vector_load %arg6[%get3A_688, %get3A_689, %get3A_690] {strides = array<i32>} : memref<3x200x128xf32, #tpu.memory_space<vmem>>, vector<1x1x16xf32>,
        %get3A_692 = vector.shape_cast %get3A_691 : vector<1x1x16xf32> to vector<16xf32>
        %add3A_693 = arith.addf %add3A_635, %get3A_692 : vector<16xf32>
        %get3A_694 = arith.constant 0 : i32
        %get3A_695 = arith.index_cast %get3A_694 : i32 to index
        %get3A_696 = arith.index_cast %scan3A_651 : i32 to index
        %get3A_697 = arith.constant 96 : index
        %get3A_698 = tpu.vector_load %arg6[%get3A_695, %get3A_696, %get3A_697] {strides = array<i32>} : memref<3x200x128xf32, #tpu.memory_space<vmem>>, vector<1x1x16xf32>,
        %get3A_699 = vector.shape_cast %get3A_698 : vector<1x1x16xf32> to vector<16xf32>
        %add3A_700 = arith.addf %add3A_642, %get3A_699 : vector<16xf32>
        %get3A_701 = arith.constant 0 : i32
        %get3A_702 = arith.index_cast %get3A_701 : i32 to index
        %get3A_703 = arith.index_cast %scan3A_651 : i32 to index
        %get3A_704 = arith.constant 112 : index
        %get3A_705 = tpu.vector_load %arg6[%get3A_702, %get3A_703, %get3A_704] {strides = array<i32>} : memref<3x200x128xf32, #tpu.memory_space<vmem>>, vector<1x1x16xf32>,
        %get3A_706 = vector.shape_cast %get3A_705 : vector<1x1x16xf32> to vector<16xf32>
        %add3A_707 = arith.addf %add3A_649, %get3A_706 : vector<16xf32>
        %scan3A_708 = arith.constant 3 : i32
        %scan3A_709 = arith.addi %scan3A_528, %scan3A_708 : i32
        %get3A_710 = arith.constant 0 : i32
        %get3A_711 = arith.index_cast %get3A_710 : i32 to index
        %get3A_712 = arith.index_cast %scan3A_709 : i32 to index
        %get3A_713 = arith.constant 0 : index
        %get3A_714 = tpu.vector_load %arg6[%get3A_711, %get3A_712, %get3A_713] {strides = array<i32>} : memref<3x200x128xf32, #tpu.memory_space<vmem>>, vector<1x1x16xf32>,
        %get3A_715 = vector.shape_cast %get3A_714 : vector<1x1x16xf32> to vector<16xf32>
        %add3A_716 = arith.addf %add3A_658, %get3A_715 : vector<16xf32>
        %get3A_717 = arith.constant 0 : i32
        %get3A_718 = arith.index_cast %get3A_717 : i32 to index
        %get3A_719 = arith.index_cast %scan3A_709 : i32 to index
        %get3A_720 = arith.constant 16 : index
        %get3A_721 = tpu.vector_load %arg6[%get3A_718, %get3A_719, %get3A_720] {strides = array<i32>} : memref<3x200x128xf32, #tpu.memory_space<vmem>>, vector<1x1x16xf32>,
        %get3A_722 = vector.shape_cast %get3A_721 : vector<1x1x16xf32> to vector<16xf32>
        %add3A_723 = arith.addf %add3A_665, %get3A_722 : vector<16xf32>
        %get3A_724 = arith.constant 0 : i32
        %get3A_725 = arith.index_cast %get3A_724 : i32 to index
        %get3A_726 = arith.index_cast %scan3A_709 : i32 to index
        %get3A_727 = arith.constant 32 : index
        %get3A_728 = tpu.vector_load %arg6[%get3A_725, %get3A_726, %get3A_727] {strides = array<i32>} : memref<3x200x128xf32, #tpu.memory_space<vmem>>, vector<1x1x16xf32>,
        %get3A_729 = vector.shape_cast %get3A_728 : vector<1x1x16xf32> to vector<16xf32>
        %add3A_730 = arith.addf %add3A_672, %get3A_729 : vector<16xf32>
        %get3A_731 = arith.constant 0 : i32
        %get3A_732 = arith.index_cast %get3A_731 : i32 to index
        %get3A_733 = arith.index_cast %scan3A_709 : i32 to index
        %get3A_734 = arith.constant 48 : index
        %get3A_735 = tpu.vector_load %arg6[%get3A_732, %get3A_733, %get3A_734] {strides = array<i32>} : memref<3x200x128xf32, #tpu.memory_space<vmem>>, vector<1x1x16xf32>,
        %get3A_736 = vector.shape_cast %get3A_735 : vector<1x1x16xf32> to vector<16xf32>
        %add3A_737 = arith.addf %add3A_679, %get3A_736 : vector<16xf32>
        %get3A_738 = arith.constant 0 : i32
        %get3A_739 = arith.index_cast %get3A_738 : i32 to index
        %get3A_740 = arith.index_cast %scan3A_709 : i32 to index
        %get3A_741 = arith.constant 64 : index
        %get3A_742 = tpu.vector_load %arg6[%get3A_739, %get3A_740, %get3A_741] {strides = array<i32>} : memref<3x200x128xf32, #tpu.memory_space<vmem>>, vector<1x1x16xf32>,
        %get3A_743 = vector.shape_cast %get3A_742 : vector<1x1x16xf32> to vector<16xf32>
        %add3A_744 = arith.addf %add3A_686, %get3A_743 : vector<16xf32>
        %get3A_745 = arith.constant 0 : i32
        %get3A_746 = arith.index_cast %get3A_745 : i32 to index
        %get3A_747 = arith.index_cast %scan3A_709 : i32 to index
        %get3A_748 = arith.constant 80 : index
        %get3A_749 = tpu.vector_load %arg6[%get3A_746, %get3A_747, %get3A_748] {strides = array<i32>} : memref<3x200x128xf32, #tpu.memory_space<vmem>>, vector<1x1x16xf32>,
        %get3A_750 = vector.shape_cast %get3A_749 : vector<1x1x16xf32> to vector<16xf32>
        %add3A_751 = arith.addf %add3A_693, %get3A_750 : vector<16xf32>
        %get3A_752 = arith.constant 0 : i32
        %get3A_753 = arith.index_cast %get3A_752 : i32 to index
        %get3A_754 = arith.index_cast %scan3A_709 : i32 to index
        %get3A_755 = arith.constant 96 : index
        %get3A_756 = tpu.vector_load %arg6[%get3A_753, %get3A_754, %get3A_755] {strides = array<i32>} : memref<3x200x128xf32, #tpu.memory_space<vmem>>, vector<1x1x16xf32>,
        %get3A_757 = vector.shape_cast %get3A_756 : vector<1x1x16xf32> to vector<16xf32>
        %add3A_758 = arith.addf %add3A_700, %get3A_757 : vector<16xf32>
        %get3A_759 = arith.constant 0 : i32
        %get3A_760 = arith.index_cast %get3A_759 : i32 to index
        %get3A_761 = arith.index_cast %scan3A_709 : i32 to index
        %get3A_762 = arith.constant 112 : index
        %get3A_763 = tpu.vector_load %arg6[%get3A_760, %get3A_761, %get3A_762] {strides = array<i32>} : memref<3x200x128xf32, #tpu.memory_space<vmem>>, vector<1x1x16xf32>,
        %get3A_764 = vector.shape_cast %get3A_763 : vector<1x1x16xf32> to vector<16xf32>
        %add3A_765 = arith.addf %add3A_707, %get3A_764 : vector<16xf32>
        scf.yield %add3A_716, %add3A_723, %add3A_730, %add3A_737, %add3A_744, %add3A_751, %add3A_758, %add3A_765 : vector<16xf32>, vector<16xf32>, vector<16xf32>, vector<16xf32>, vector<16xf32>, vector<16xf32>, vector<16xf32>, vector<16xf32>
      }
      %scan3A_307 = arith.constant 200 : i32
      %swap3A_308 = arith.index_cast %add3A_270 : i32 to index
      %swap3A_309 = arith.constant 0 : index
      %swap3A_310 = tpu.vector_load %arg7[%swap3A_308, %swap3A_309] {strides = array<i32>} : memref<128x128xf32, #tpu.memory_space<vmem>>, vector<1x16xf32>,
      %swap3A_311 = vector.shape_cast %swap3A_310 : vector<1x16xf32> to vector<16xf32>
      %swap3A_312 = vector.shape_cast %scan3A_306#0 : vector<16xf32> to vector<1x16xf32>
      tpu.vector_store %arg7[%swap3A_308, %swap3A_309], %swap3A_312 {strides = array<i32>} : memref<128x128xf32, #tpu.memory_space<vmem>>, vector<1x16xf32>,
      %swap3A_313 = arith.index_cast %add3A_270 : i32 to index
      %swap3A_314 = arith.constant 16 : index
      %swap3A_315 = tpu.vector_load %arg7[%swap3A_313, %swap3A_314] {strides = array<i32>} : memref<128x128xf32, #tpu.memory_space<vmem>>, vector<1x16xf32>,
      %swap3A_316 = vector.shape_cast %swap3A_315 : vector<1x16xf32> to vector<16xf32>
      %swap3A_317 = vector.shape_cast %scan3A_306#1 : vector<16xf32> to vector<1x16xf32>
      tpu.vector_store %arg7[%swap3A_313, %swap3A_314], %swap3A_317 {strides = array<i32>} : memref<128x128xf32, #tpu.memory_space<vmem>>, vector<1x16xf32>,
      %swap3A_318 = arith.index_cast %add3A_270 : i32 to index
      %swap3A_319 = arith.constant 32 : index
      %swap3A_320 = tpu.vector_load %arg7[%swap3A_318, %swap3A_319] {strides = array<i32>} : memref<128x128xf32, #tpu.memory_space<vmem>>, vector<1x16xf32>,
      %swap3A_321 = vector.shape_cast %swap3A_320 : vector<1x16xf32> to vector<16xf32>
      %swap3A_322 = vector.shape_cast %scan3A_306#2 : vector<16xf32> to vector<1x16xf32>
      tpu.vector_store %arg7[%swap3A_318, %swap3A_319], %swap3A_322 {strides = array<i32>} : memref<128x128xf32, #tpu.memory_space<vmem>>, vector<1x16xf32>,
      %swap3A_323 = arith.index_cast %add3A_270 : i32 to index
      %swap3A_324 = arith.constant 48 : index
      %swap3A_325 = tpu.vector_load %arg7[%swap3A_323, %swap3A_324] {strides = array<i32>} : memref<128x128xf32, #tpu.memory_space<vmem>>, vector<1x16xf32>,
      %swap3A_326 = vector.shape_cast %swap3A_325 : vector<1x16xf32> to vector<16xf32>
      %swap3A_327 = vector.shape_cast %scan3A_306#3 : vector<16xf32> to vector<1x16xf32>
      tpu.vector_store %arg7[%swap3A_323, %swap3A_324], %swap3A_327 {strides = array<i32>} : memref<128x128xf32, #tpu.memory_space<vmem>>, vector<1x16xf32>,
      %swap3A_328 = arith.index_cast %add3A_270 : i32 to index
      %swap3A_329 = arith.constant 64 : index
      %swap3A_330 = tpu.vector_load %arg7[%swap3A_328, %swap3A_329] {strides = array<i32>} : memref<128x128xf32, #tpu.memory_space<vmem>>, vector<1x16xf32>,
      %swap3A_331 = vector.shape_cast %swap3A_330 : vector<1x16xf32> to vector<16xf32>
      %swap3A_332 = vector.shape_cast %scan3A_306#4 : vector<16xf32> to vector<1x16xf32>
      tpu.vector_store %arg7[%swap3A_328, %swap3A_329], %swap3A_332 {strides = array<i32>} : memref<128x128xf32, #tpu.memory_space<vmem>>, vector<1x16xf32>,
      %swap3A_333 = arith.index_cast %add3A_270 : i32 to index
      %swap3A_334 = arith.constant 80 : index
      %swap3A_335 = tpu.vector_load %arg7[%swap3A_333, %swap3A_334] {strides = array<i32>} : memref<128x128xf32, #tpu.memory_space<vmem>>, vector<1x16xf32>,
      %swap3A_336 = vector.shape_cast %swap3A_335 : vector<1x16xf32> to vector<16xf32>
      %swap3A_337 = vector.shape_cast %scan3A_306#5 : vector<16xf32> to vector<1x16xf32>
      tpu.vector_store %arg7[%swap3A_333, %swap3A_334], %swap3A_337 {strides = array<i32>} : memref<128x128xf32, #tpu.memory_space<vmem>>, vector<1x16xf32>,
      %swap3A_338 = arith.index_cast %add3A_270 : i32 to index
      %swap3A_339 = arith.constant 96 : index
      %swap3A_340 = tpu.vector_load %arg7[%swap3A_338, %swap3A_339] {strides = array<i32>} : memref<128x128xf32, #tpu.memory_space<vmem>>, vector<1x16xf32>,
      %swap3A_341 = vector.shape_cast %swap3A_340 : vector<1x16xf32> to vector<16xf32>
      %swap3A_342 = vector.shape_cast %scan3A_306#6 : vector<16xf32> to vector<1x16xf32>
      tpu.vector_store %arg7[%swap3A_338, %swap3A_339], %swap3A_342 {strides = array<i32>} : memref<128x128xf32, #tpu.memory_space<vmem>>, vector<1x16xf32>,
      %swap3A_343 = arith.index_cast %add3A_270 : i32 to index
      %swap3A_344 = arith.constant 112 : index
      %swap3A_345 = tpu.vector_load %arg7[%swap3A_343, %swap3A_344] {strides = array<i32>} : memref<128x128xf32, #tpu.memory_space<vmem>>, vector<1x16xf32>,
      %swap3A_346 = vector.shape_cast %swap3A_345 : vector<1x16xf32> to vector<16xf32>
      %swap3A_347 = vector.shape_cast %scan3A_306#7 : vector<16xf32> to vector<1x16xf32>
      tpu.vector_store %arg7[%swap3A_343, %swap3A_344], %swap3A_347 {strides = array<i32>} : memref<128x128xf32, #tpu.memory_space<vmem>>, vector<1x16xf32>,
      %add3A_348 = arith.constant 3 : i32
      %add3A_349 = arith.addi %add3A_270, %add3A_348 : i32
      %lt3A = arith.constant 128 : i32
      %lt3A_350 = arith.cmpi slt, %add3A_349, %lt3A : i32
      %convert_element_type3A = arith.extui %lt3A_350 : i1 to i32
      %cond3A = arith.constant 0 : i32
      %cond3A_351 = arith.cmpi ne, %convert_element_type3A, %cond3A : i32
      scf.if %cond3A_351 {
        %add3A_528 = arith.constant 3 : i32
        %add3A_529 = arith.addi %add3A_270, %add3A_528 : i32
        %dma_start3A_530 = arith.constant 0 : i32
        %dma_start3A_531 = arith.constant 0 : i32
        %dma_start3A_532 = arith.constant 0 : i32
        %dma_start3A_533 = tpu.memref_slice %arg6[%dma_start3A_530, %dma_start3A_531, %dma_start3A_532] : memref<3x200x128xf32, #tpu.memory_space<vmem>> -> memref<1x200x128xf32, #tpu.memory_space<vmem>>
        %dma_start3A_534 = tpu.memref_squeeze %dma_start3A_533 : memref<1x200x128xf32, #tpu.memory_space<vmem>> -> memref<200x128xf32, #tpu.memory_space<vmem>>
        %dma_start3A_535 = arith.constant 0 : i32
        %dma_start3A_536 = arith.constant 0 : i32
        %dma_start3A_537 = tpu.memref_slice %dma_start3A_534[%dma_start3A_535, %dma_start3A_536] : memref<200x128xf32, #tpu.memory_space<vmem>> -> memref<128x128xf32, #tpu.memory_space<vmem>>
        %dma_start3A_538 = arith.constant 0 : i32
        %dma_start3A_539 = tpu.memref_slice %arg5[%add3A_529, %dma_start3A_538] : memref<128x200xi32, #tpu.memory_space<vmem>> -> memref<1x128xi32, #tpu.memory_space<vmem>>
        %dma_start3A_540 = tpu.memref_squeeze %dma_start3A_539 : memref<1x128xi32, #tpu.memory_space<vmem>> -> memref<128xi32, #tpu.memory_space<vmem>>
        %dma_start3A_541 = arith.constant 0 : i32
        %dma_start3A_542 = arith.constant 0 : i32
        %dma_start3A_543 = tpu.memref_slice %arg3[%dma_start3A_541, %dma_start3A_542] : memref<100000x128xf32, #tpu.memory_space<hbm>> -> memref<100000x128xf32, #tpu.memory_space<hbm>>
        tpu.enqueue_indirect_dma source(%dma_start3A_543 : memref<100000x128xf32, #tpu.memory_space<hbm>>) target(%dma_start3A_537 : memref<128x128xf32, #tpu.memory_space<vmem>>) offsets(%dma_start3A_540 : memref<128xi32, #tpu.memory_space<vmem>>) semaphore(%arg8 : memref<!tpu.dma_semaphore, #tpu.memory_space<semaphore_mem>>)
        %dma_start3A_544 = arith.constant 0 : i32
        %dma_start3A_545 = arith.constant 0 : i32
        %dma_start3A_546 = arith.constant 0 : i32
        %dma_start3A_547 = tpu.memref_slice %arg6[%dma_start3A_544, %dma_start3A_545, %dma_start3A_546] : memref<3x200x128xf32, #tpu.memory_space<vmem>> -> memref<1x200x128xf32, #tpu.memory_space<vmem>>
        %dma_start3A_548 = tpu.memref_squeeze %dma_start3A_547 : memref<1x200x128xf32, #tpu.memory_space<vmem>> -> memref<200x128xf32, #tpu.memory_space<vmem>>
        %dma_start3A_549 = arith.constant 128 : i32
        %dma_start3A_550 = arith.constant 0 : i32
        %dma_start3A_551 = tpu.memref_slice %dma_start3A_548[%dma_start3A_549, %dma_start3A_550] : memref<200x128xf32, #tpu.memory_space<vmem>> -> memref<72x128xf32, #tpu.memory_space<vmem>>
        %dma_start3A_552 = arith.constant 128 : i32
        %dma_start3A_553 = tpu.memref_slice %arg5[%add3A_529, %dma_start3A_552] : memref<128x200xi32, #tpu.memory_space<vmem>> -> memref<1x72xi32, #tpu.memory_space<vmem>>
        %dma_start3A_554 = tpu.memref_squeeze %dma_start3A_553 : memref<1x72xi32, #tpu.memory_space<vmem>> -> memref<72xi32, #tpu.memory_space<vmem>>
        %dma_start3A_555 = arith.constant 0 : i32
        %dma_start3A_556 = arith.constant 0 : i32
        %dma_start3A_557 = tpu.memref_slice %arg3[%dma_start3A_555, %dma_start3A_556] : memref<100000x128xf32, #tpu.memory_space<hbm>> -> memref<100000x128xf32, #tpu.memory_space<hbm>>
        tpu.enqueue_indirect_dma source(%dma_start3A_557 : memref<100000x128xf32, #tpu.memory_space<hbm>>) target(%dma_start3A_551 : memref<72x128xf32, #tpu.memory_space<vmem>>) offsets(%dma_start3A_554 : memref<72xi32, #tpu.memory_space<vmem>>) semaphore(%arg8 : memref<!tpu.dma_semaphore, #tpu.memory_space<semaphore_mem>>)
      } else {
      }
      %mul3A_352 = arith.constant 3 : i32
      %mul3A_353 = arith.muli %mul3A_352, %scan3A_266 : i32
      %add3A_354 = arith.constant 1 : i32
      %add3A_355 = arith.addi %mul3A_353, %add3A_354 : i32
      %dma_wait3A_356 = arith.constant 1 : i32
      %dma_wait3A_357 = arith.constant 0 : i32
      %dma_wait3A_358 = arith.constant 0 : i32
      %dma_wait3A_359 = tpu.memref_slice %arg6[%dma_wait3A_356, %dma_wait3A_357, %dma_wait3A_358] : memref<3x200x128xf32, #tpu.memory_space<vmem>> -> memref<1x200x128xf32, #tpu.memory_space<vmem>>
      %dma_wait3A_360 = tpu.memref_squeeze %dma_wait3A_359 : memref<1x200x128xf32, #tpu.memory_space<vmem>> -> memref<200x128xf32, #tpu.memory_space<vmem>>
      %dma_wait3A_361 = arith.constant 0 : i32
      %dma_wait3A_362 = arith.constant 0 : i32
      %dma_wait3A_363 = tpu.memref_slice %arg3[%dma_wait3A_361, %dma_wait3A_362] : memref<100000x128xf32, #tpu.memory_space<hbm>> -> memref<200x128xf32, #tpu.memory_space<hbm>>
      %dma_wait3A_364 = arith.constant 0 : i32
      %dma_wait3A_365 = arith.constant 0 : i32
      %dma_wait3A_366 = tpu.memref_slice %arg6[%dma_wait3A_356, %dma_wait3A_364, %dma_wait3A_365] : memref<3x200x128xf32, #tpu.memory_space<vmem>> -> memref<1x200x128xf32, #tpu.memory_space<vmem>>
      %dma_wait3A_367 = tpu.memref_squeeze %dma_wait3A_366 : memref<1x200x128xf32, #tpu.memory_space<vmem>> -> memref<200x128xf32, #tpu.memory_space<vmem>>
      %dma_wait3A_368 = arith.constant 0 : i32
      %dma_wait3A_369 = arith.constant 0 : i32
      %dma_wait3A_370 = tpu.memref_slice %arg3[%dma_wait3A_368, %dma_wait3A_369] : memref<100000x128xf32, #tpu.memory_space<hbm>> -> memref<200x128xf32, #tpu.memory_space<hbm>>
      tpu.wait_dma2 semaphore(%arg9 : memref<!tpu.dma_semaphore, #tpu.memory_space<semaphore_mem>>) src(%dma_wait3A_370 : memref<200x128xf32, #tpu.memory_space<hbm>>) dst(%dma_wait3A_367 : memref<200x128xf32, #tpu.memory_space<vmem>>)
      %broadcast_in_dim3A_371 = arith.constant 0.000000e+00 : f32
      %broadcast_in_dim3A_372 = vector.broadcast %broadcast_in_dim3A_371 : f32 to vector<16xf32>
      %broadcast_in_dim3A_373 = arith.constant 0.000000e+00 : f32
      %broadcast_in_dim3A_374 = vector.broadcast %broadcast_in_dim3A_373 : f32 to vector<16xf32>
      %broadcast_in_dim3A_375 = arith.constant 0.000000e+00 : f32
      %broadcast_in_dim3A_376 = vector.broadcast %broadcast_in_dim3A_375 : f32 to vector<16xf32>
      %broadcast_in_dim3A_377 = arith.constant 0.000000e+00 : f32
      %broadcast_in_dim3A_378 = vector.broadcast %broadcast_in_dim3A_377 : f32 to vector<16xf32>
      %broadcast_in_dim3A_379 = arith.constant 0.000000e+00 : f32
      %broadcast_in_dim3A_380 = vector.broadcast %broadcast_in_dim3A_379 : f32 to vector<16xf32>
      %broadcast_in_dim3A_381 = arith.constant 0.000000e+00 : f32
      %broadcast_in_dim3A_382 = vector.broadcast %broadcast_in_dim3A_381 : f32 to vector<16xf32>
      %broadcast_in_dim3A_383 = arith.constant 0.000000e+00 : f32
      %broadcast_in_dim3A_384 = vector.broadcast %broadcast_in_dim3A_383 : f32 to vector<16xf32>
      %broadcast_in_dim3A_385 = arith.constant 0.000000e+00 : f32
      %broadcast_in_dim3A_386 = vector.broadcast %broadcast_in_dim3A_385 : f32 to vector<16xf32>
      %scan3A_387 = arith.constant 0 : i32
      %scan3A_388 = arith.constant 200 : i32
      %scan3A_389 = arith.addi %scan3A_387, %scan3A_388 : i32
      %scan3A_390 = arith.constant 4 : i32
      %scan3A_391:8 = scf.for %scan3A_528 = %scan3A_387 to %scan3A_389 step %scan3A_390 iter_args(%scan3A_529 = %broadcast_in_dim3A_372, %scan3A_530 = %broadcast_in_dim3A_374, %scan3A_531 = %broadcast_in_dim3A_376, %scan3A_532 = %broadcast_in_dim3A_378, %scan3A_533 = %broadcast_in_dim3A_380, %scan3A_534 = %broadcast_in_dim3A_382, %scan3A_535 = %broadcast_in_dim3A_384, %scan3A_536 = %broadcast_in_dim3A_386) -> (vector<16xf32>, vector<16xf32>, vector<16xf32>, vector<16xf32>, vector<16xf32>, vector<16xf32>, vector<16xf32>, vector<16xf32>)  : i32 {
        %get3A = arith.constant 1 : i32
        %get3A_537 = arith.index_cast %get3A : i32 to index
        %get3A_538 = arith.index_cast %scan3A_528 : i32 to index
        %get3A_539 = arith.constant 0 : index
        %get3A_540 = tpu.vector_load %arg6[%get3A_537, %get3A_538, %get3A_539] {strides = array<i32>} : memref<3x200x128xf32, #tpu.memory_space<vmem>>, vector<1x1x16xf32>,
        %get3A_541 = vector.shape_cast %get3A_540 : vector<1x1x16xf32> to vector<16xf32>
        %add3A_542 = arith.addf %scan3A_529, %get3A_541 : vector<16xf32>
        %get3A_543 = arith.constant 1 : i32
        %get3A_544 = arith.index_cast %get3A_543 : i32 to index
        %get3A_545 = arith.index_cast %scan3A_528 : i32 to index
        %get3A_546 = arith.constant 16 : index
        %get3A_547 = tpu.vector_load %arg6[%get3A_544, %get3A_545, %get3A_546] {strides = array<i32>} : memref<3x200x128xf32, #tpu.memory_space<vmem>>, vector<1x1x16xf32>,
        %get3A_548 = vector.shape_cast %get3A_547 : vector<1x1x16xf32> to vector<16xf32>
        %add3A_549 = arith.addf %scan3A_530, %get3A_548 : vector<16xf32>
        %get3A_550 = arith.constant 1 : i32
        %get3A_551 = arith.index_cast %get3A_550 : i32 to index
        %get3A_552 = arith.index_cast %scan3A_528 : i32 to index
        %get3A_553 = arith.constant 32 : index
        %get3A_554 = tpu.vector_load %arg6[%get3A_551, %get3A_552, %get3A_553] {strides = array<i32>} : memref<3x200x128xf32, #tpu.memory_space<vmem>>, vector<1x1x16xf32>,
        %get3A_555 = vector.shape_cast %get3A_554 : vector<1x1x16xf32> to vector<16xf32>
        %add3A_556 = arith.addf %scan3A_531, %get3A_555 : vector<16xf32>
        %get3A_557 = arith.constant 1 : i32
        %get3A_558 = arith.index_cast %get3A_557 : i32 to index
        %get3A_559 = arith.index_cast %scan3A_528 : i32 to index
        %get3A_560 = arith.constant 48 : index
        %get3A_561 = tpu.vector_load %arg6[%get3A_558, %get3A_559, %get3A_560] {strides = array<i32>} : memref<3x200x128xf32, #tpu.memory_space<vmem>>, vector<1x1x16xf32>,
        %get3A_562 = vector.shape_cast %get3A_561 : vector<1x1x16xf32> to vector<16xf32>
        %add3A_563 = arith.addf %scan3A_532, %get3A_562 : vector<16xf32>
        %get3A_564 = arith.constant 1 : i32
        %get3A_565 = arith.index_cast %get3A_564 : i32 to index
        %get3A_566 = arith.index_cast %scan3A_528 : i32 to index
        %get3A_567 = arith.constant 64 : index
        %get3A_568 = tpu.vector_load %arg6[%get3A_565, %get3A_566, %get3A_567] {strides = array<i32>} : memref<3x200x128xf32, #tpu.memory_space<vmem>>, vector<1x1x16xf32>,
        %get3A_569 = vector.shape_cast %get3A_568 : vector<1x1x16xf32> to vector<16xf32>
        %add3A_570 = arith.addf %scan3A_533, %get3A_569 : vector<16xf32>
        %get3A_571 = arith.constant 1 : i32
        %get3A_572 = arith.index_cast %get3A_571 : i32 to index
        %get3A_573 = arith.index_cast %scan3A_528 : i32 to index
        %get3A_574 = arith.constant 80 : index
        %get3A_575 = tpu.vector_load %arg6[%get3A_572, %get3A_573, %get3A_574] {strides = array<i32>} : memref<3x200x128xf32, #tpu.memory_space<vmem>>, vector<1x1x16xf32>,
        %get3A_576 = vector.shape_cast %get3A_575 : vector<1x1x16xf32> to vector<16xf32>
        %add3A_577 = arith.addf %scan3A_534, %get3A_576 : vector<16xf32>
        %get3A_578 = arith.constant 1 : i32
        %get3A_579 = arith.index_cast %get3A_578 : i32 to index
        %get3A_580 = arith.index_cast %scan3A_528 : i32 to index
        %get3A_581 = arith.constant 96 : index
        %get3A_582 = tpu.vector_load %arg6[%get3A_579, %get3A_580, %get3A_581] {strides = array<i32>} : memref<3x200x128xf32, #tpu.memory_space<vmem>>, vector<1x1x16xf32>,
        %get3A_583 = vector.shape_cast %get3A_582 : vector<1x1x16xf32> to vector<16xf32>
        %add3A_584 = arith.addf %scan3A_535, %get3A_583 : vector<16xf32>
        %get3A_585 = arith.constant 1 : i32
        %get3A_586 = arith.index_cast %get3A_585 : i32 to index
        %get3A_587 = arith.index_cast %scan3A_528 : i32 to index
        %get3A_588 = arith.constant 112 : index
        %get3A_589 = tpu.vector_load %arg6[%get3A_586, %get3A_587, %get3A_588] {strides = array<i32>} : memref<3x200x128xf32, #tpu.memory_space<vmem>>, vector<1x1x16xf32>,
        %get3A_590 = vector.shape_cast %get3A_589 : vector<1x1x16xf32> to vector<16xf32>
        %add3A_591 = arith.addf %scan3A_536, %get3A_590 : vector<16xf32>
        %scan3A_592 = arith.constant 1 : i32
        %scan3A_593 = arith.addi %scan3A_528, %scan3A_592 : i32
        %get3A_594 = arith.constant 1 : i32
        %get3A_595 = arith.index_cast %get3A_594 : i32 to index
        %get3A_596 = arith.index_cast %scan3A_593 : i32 to index
        %get3A_597 = arith.constant 0 : index
        %get3A_598 = tpu.vector_load %arg6[%get3A_595, %get3A_596, %get3A_597] {strides = array<i32>} : memref<3x200x128xf32, #tpu.memory_space<vmem>>, vector<1x1x16xf32>,
        %get3A_599 = vector.shape_cast %get3A_598 : vector<1x1x16xf32> to vector<16xf32>
        %add3A_600 = arith.addf %add3A_542, %get3A_599 : vector<16xf32>
        %get3A_601 = arith.constant 1 : i32
        %get3A_602 = arith.index_cast %get3A_601 : i32 to index
        %get3A_603 = arith.index_cast %scan3A_593 : i32 to index
        %get3A_604 = arith.constant 16 : index
        %get3A_605 = tpu.vector_load %arg6[%get3A_602, %get3A_603, %get3A_604] {strides = array<i32>} : memref<3x200x128xf32, #tpu.memory_space<vmem>>, vector<1x1x16xf32>,
        %get3A_606 = vector.shape_cast %get3A_605 : vector<1x1x16xf32> to vector<16xf32>
        %add3A_607 = arith.addf %add3A_549, %get3A_606 : vector<16xf32>
        %get3A_608 = arith.constant 1 : i32
        %get3A_609 = arith.index_cast %get3A_608 : i32 to index
        %get3A_610 = arith.index_cast %scan3A_593 : i32 to index
        %get3A_611 = arith.constant 32 : index
        %get3A_612 = tpu.vector_load %arg6[%get3A_609, %get3A_610, %get3A_611] {strides = array<i32>} : memref<3x200x128xf32, #tpu.memory_space<vmem>>, vector<1x1x16xf32>,
        %get3A_613 = vector.shape_cast %get3A_612 : vector<1x1x16xf32> to vector<16xf32>
        %add3A_614 = arith.addf %add3A_556, %get3A_613 : vector<16xf32>
        %get3A_615 = arith.constant 1 : i32
        %get3A_616 = arith.index_cast %get3A_615 : i32 to index
        %get3A_617 = arith.index_cast %scan3A_593 : i32 to index
        %get3A_618 = arith.constant 48 : index
        %get3A_619 = tpu.vector_load %arg6[%get3A_616, %get3A_617, %get3A_618] {strides = array<i32>} : memref<3x200x128xf32, #tpu.memory_space<vmem>>, vector<1x1x16xf32>,
        %get3A_620 = vector.shape_cast %get3A_619 : vector<1x1x16xf32> to vector<16xf32>
        %add3A_621 = arith.addf %add3A_563, %get3A_620 : vector<16xf32>
        %get3A_622 = arith.constant 1 : i32
        %get3A_623 = arith.index_cast %get3A_622 : i32 to index
        %get3A_624 = arith.index_cast %scan3A_593 : i32 to index
        %get3A_625 = arith.constant 64 : index
        %get3A_626 = tpu.vector_load %arg6[%get3A_623, %get3A_624, %get3A_625] {strides = array<i32>} : memref<3x200x128xf32, #tpu.memory_space<vmem>>, vector<1x1x16xf32>,
        %get3A_627 = vector.shape_cast %get3A_626 : vector<1x1x16xf32> to vector<16xf32>
        %add3A_628 = arith.addf %add3A_570, %get3A_627 : vector<16xf32>
        %get3A_629 = arith.constant 1 : i32
        %get3A_630 = arith.index_cast %get3A_629 : i32 to index
        %get3A_631 = arith.index_cast %scan3A_593 : i32 to index
        %get3A_632 = arith.constant 80 : index
        %get3A_633 = tpu.vector_load %arg6[%get3A_630, %get3A_631, %get3A_632] {strides = array<i32>} : memref<3x200x128xf32, #tpu.memory_space<vmem>>, vector<1x1x16xf32>,
        %get3A_634 = vector.shape_cast %get3A_633 : vector<1x1x16xf32> to vector<16xf32>
        %add3A_635 = arith.addf %add3A_577, %get3A_634 : vector<16xf32>
        %get3A_636 = arith.constant 1 : i32
        %get3A_637 = arith.index_cast %get3A_636 : i32 to index
        %get3A_638 = arith.index_cast %scan3A_593 : i32 to index
        %get3A_639 = arith.constant 96 : index
        %get3A_640 = tpu.vector_load %arg6[%get3A_637, %get3A_638, %get3A_639] {strides = array<i32>} : memref<3x200x128xf32, #tpu.memory_space<vmem>>, vector<1x1x16xf32>,
        %get3A_641 = vector.shape_cast %get3A_640 : vector<1x1x16xf32> to vector<16xf32>
        %add3A_642 = arith.addf %add3A_584, %get3A_641 : vector<16xf32>
        %get3A_643 = arith.constant 1 : i32
        %get3A_644 = arith.index_cast %get3A_643 : i32 to index
        %get3A_645 = arith.index_cast %scan3A_593 : i32 to index
        %get3A_646 = arith.constant 112 : index
        %get3A_647 = tpu.vector_load %arg6[%get3A_644, %get3A_645, %get3A_646] {strides = array<i32>} : memref<3x200x128xf32, #tpu.memory_space<vmem>>, vector<1x1x16xf32>,
        %get3A_648 = vector.shape_cast %get3A_647 : vector<1x1x16xf32> to vector<16xf32>
        %add3A_649 = arith.addf %add3A_591, %get3A_648 : vector<16xf32>
        %scan3A_650 = arith.constant 2 : i32
        %scan3A_651 = arith.addi %scan3A_528, %scan3A_650 : i32
        %get3A_652 = arith.constant 1 : i32
        %get3A_653 = arith.index_cast %get3A_652 : i32 to index
        %get3A_654 = arith.index_cast %scan3A_651 : i32 to index
        %get3A_655 = arith.constant 0 : index
        %get3A_656 = tpu.vector_load %arg6[%get3A_653, %get3A_654, %get3A_655] {strides = array<i32>} : memref<3x200x128xf32, #tpu.memory_space<vmem>>, vector<1x1x16xf32>,
        %get3A_657 = vector.shape_cast %get3A_656 : vector<1x1x16xf32> to vector<16xf32>
        %add3A_658 = arith.addf %add3A_600, %get3A_657 : vector<16xf32>
        %get3A_659 = arith.constant 1 : i32
        %get3A_660 = arith.index_cast %get3A_659 : i32 to index
        %get3A_661 = arith.index_cast %scan3A_651 : i32 to index
        %get3A_662 = arith.constant 16 : index
        %get3A_663 = tpu.vector_load %arg6[%get3A_660, %get3A_661, %get3A_662] {strides = array<i32>} : memref<3x200x128xf32, #tpu.memory_space<vmem>>, vector<1x1x16xf32>,
        %get3A_664 = vector.shape_cast %get3A_663 : vector<1x1x16xf32> to vector<16xf32>
        %add3A_665 = arith.addf %add3A_607, %get3A_664 : vector<16xf32>
        %get3A_666 = arith.constant 1 : i32
        %get3A_667 = arith.index_cast %get3A_666 : i32 to index
        %get3A_668 = arith.index_cast %scan3A_651 : i32 to index
        %get3A_669 = arith.constant 32 : index
        %get3A_670 = tpu.vector_load %arg6[%get3A_667, %get3A_668, %get3A_669] {strides = array<i32>} : memref<3x200x128xf32, #tpu.memory_space<vmem>>, vector<1x1x16xf32>,
        %get3A_671 = vector.shape_cast %get3A_670 : vector<1x1x16xf32> to vector<16xf32>
        %add3A_672 = arith.addf %add3A_614, %get3A_671 : vector<16xf32>
        %get3A_673 = arith.constant 1 : i32
        %get3A_674 = arith.index_cast %get3A_673 : i32 to index
        %get3A_675 = arith.index_cast %scan3A_651 : i32 to index
        %get3A_676 = arith.constant 48 : index
        %get3A_677 = tpu.vector_load %arg6[%get3A_674, %get3A_675, %get3A_676] {strides = array<i32>} : memref<3x200x128xf32, #tpu.memory_space<vmem>>, vector<1x1x16xf32>,
        %get3A_678 = vector.shape_cast %get3A_677 : vector<1x1x16xf32> to vector<16xf32>
        %add3A_679 = arith.addf %add3A_621, %get3A_678 : vector<16xf32>
        %get3A_680 = arith.constant 1 : i32
        %get3A_681 = arith.index_cast %get3A_680 : i32 to index
        %get3A_682 = arith.index_cast %scan3A_651 : i32 to index
        %get3A_683 = arith.constant 64 : index
        %get3A_684 = tpu.vector_load %arg6[%get3A_681, %get3A_682, %get3A_683] {strides = array<i32>} : memref<3x200x128xf32, #tpu.memory_space<vmem>>, vector<1x1x16xf32>,
        %get3A_685 = vector.shape_cast %get3A_684 : vector<1x1x16xf32> to vector<16xf32>
        %add3A_686 = arith.addf %add3A_628, %get3A_685 : vector<16xf32>
        %get3A_687 = arith.constant 1 : i32
        %get3A_688 = arith.index_cast %get3A_687 : i32 to index
        %get3A_689 = arith.index_cast %scan3A_651 : i32 to index
        %get3A_690 = arith.constant 80 : index
        %get3A_691 = tpu.vector_load %arg6[%get3A_688, %get3A_689, %get3A_690] {strides = array<i32>} : memref<3x200x128xf32, #tpu.memory_space<vmem>>, vector<1x1x16xf32>,
        %get3A_692 = vector.shape_cast %get3A_691 : vector<1x1x16xf32> to vector<16xf32>
        %add3A_693 = arith.addf %add3A_635, %get3A_692 : vector<16xf32>
        %get3A_694 = arith.constant 1 : i32
        %get3A_695 = arith.index_cast %get3A_694 : i32 to index
        %get3A_696 = arith.index_cast %scan3A_651 : i32 to index
        %get3A_697 = arith.constant 96 : index
        %get3A_698 = tpu.vector_load %arg6[%get3A_695, %get3A_696, %get3A_697] {strides = array<i32>} : memref<3x200x128xf32, #tpu.memory_space<vmem>>, vector<1x1x16xf32>,
        %get3A_699 = vector.shape_cast %get3A_698 : vector<1x1x16xf32> to vector<16xf32>
        %add3A_700 = arith.addf %add3A_642, %get3A_699 : vector<16xf32>
        %get3A_701 = arith.constant 1 : i32
        %get3A_702 = arith.index_cast %get3A_701 : i32 to index
        %get3A_703 = arith.index_cast %scan3A_651 : i32 to index
        %get3A_704 = arith.constant 112 : index
        %get3A_705 = tpu.vector_load %arg6[%get3A_702, %get3A_703, %get3A_704] {strides = array<i32>} : memref<3x200x128xf32, #tpu.memory_space<vmem>>, vector<1x1x16xf32>,
        %get3A_706 = vector.shape_cast %get3A_705 : vector<1x1x16xf32> to vector<16xf32>
        %add3A_707 = arith.addf %add3A_649, %get3A_706 : vector<16xf32>
        %scan3A_708 = arith.constant 3 : i32
        %scan3A_709 = arith.addi %scan3A_528, %scan3A_708 : i32
        %get3A_710 = arith.constant 1 : i32
        %get3A_711 = arith.index_cast %get3A_710 : i32 to index
        %get3A_712 = arith.index_cast %scan3A_709 : i32 to index
        %get3A_713 = arith.constant 0 : index
        %get3A_714 = tpu.vector_load %arg6[%get3A_711, %get3A_712, %get3A_713] {strides = array<i32>} : memref<3x200x128xf32, #tpu.memory_space<vmem>>, vector<1x1x16xf32>,
        %get3A_715 = vector.shape_cast %get3A_714 : vector<1x1x16xf32> to vector<16xf32>
        %add3A_716 = arith.addf %add3A_658, %get3A_715 : vector<16xf32>
        %get3A_717 = arith.constant 1 : i32
        %get3A_718 = arith.index_cast %get3A_717 : i32 to index
        %get3A_719 = arith.index_cast %scan3A_709 : i32 to index
        %get3A_720 = arith.constant 16 : index
        %get3A_721 = tpu.vector_load %arg6[%get3A_718, %get3A_719, %get3A_720] {strides = array<i32>} : memref<3x200x128xf32, #tpu.memory_space<vmem>>, vector<1x1x16xf32>,
        %get3A_722 = vector.shape_cast %get3A_721 : vector<1x1x16xf32> to vector<16xf32>
        %add3A_723 = arith.addf %add3A_665, %get3A_722 : vector<16xf32>
        %get3A_724 = arith.constant 1 : i32
        %get3A_725 = arith.index_cast %get3A_724 : i32 to index
        %get3A_726 = arith.index_cast %scan3A_709 : i32 to index
        %get3A_727 = arith.constant 32 : index
        %get3A_728 = tpu.vector_load %arg6[%get3A_725, %get3A_726, %get3A_727] {strides = array<i32>} : memref<3x200x128xf32, #tpu.memory_space<vmem>>, vector<1x1x16xf32>,
        %get3A_729 = vector.shape_cast %get3A_728 : vector<1x1x16xf32> to vector<16xf32>
        %add3A_730 = arith.addf %add3A_672, %get3A_729 : vector<16xf32>
        %get3A_731 = arith.constant 1 : i32
        %get3A_732 = arith.index_cast %get3A_731 : i32 to index
        %get3A_733 = arith.index_cast %scan3A_709 : i32 to index
        %get3A_734 = arith.constant 48 : index
        %get3A_735 = tpu.vector_load %arg6[%get3A_732, %get3A_733, %get3A_734] {strides = array<i32>} : memref<3x200x128xf32, #tpu.memory_space<vmem>>, vector<1x1x16xf32>,
        %get3A_736 = vector.shape_cast %get3A_735 : vector<1x1x16xf32> to vector<16xf32>
        %add3A_737 = arith.addf %add3A_679, %get3A_736 : vector<16xf32>
        %get3A_738 = arith.constant 1 : i32
        %get3A_739 = arith.index_cast %get3A_738 : i32 to index
        %get3A_740 = arith.index_cast %scan3A_709 : i32 to index
        %get3A_741 = arith.constant 64 : index
        %get3A_742 = tpu.vector_load %arg6[%get3A_739, %get3A_740, %get3A_741] {strides = array<i32>} : memref<3x200x128xf32, #tpu.memory_space<vmem>>, vector<1x1x16xf32>,
        %get3A_743 = vector.shape_cast %get3A_742 : vector<1x1x16xf32> to vector<16xf32>
        %add3A_744 = arith.addf %add3A_686, %get3A_743 : vector<16xf32>
        %get3A_745 = arith.constant 1 : i32
        %get3A_746 = arith.index_cast %get3A_745 : i32 to index
        %get3A_747 = arith.index_cast %scan3A_709 : i32 to index
        %get3A_748 = arith.constant 80 : index
        %get3A_749 = tpu.vector_load %arg6[%get3A_746, %get3A_747, %get3A_748] {strides = array<i32>} : memref<3x200x128xf32, #tpu.memory_space<vmem>>, vector<1x1x16xf32>,
        %get3A_750 = vector.shape_cast %get3A_749 : vector<1x1x16xf32> to vector<16xf32>
        %add3A_751 = arith.addf %add3A_693, %get3A_750 : vector<16xf32>
        %get3A_752 = arith.constant 1 : i32
        %get3A_753 = arith.index_cast %get3A_752 : i32 to index
        %get3A_754 = arith.index_cast %scan3A_709 : i32 to index
        %get3A_755 = arith.constant 96 : index
        %get3A_756 = tpu.vector_load %arg6[%get3A_753, %get3A_754, %get3A_755] {strides = array<i32>} : memref<3x200x128xf32, #tpu.memory_space<vmem>>, vector<1x1x16xf32>,
        %get3A_757 = vector.shape_cast %get3A_756 : vector<1x1x16xf32> to vector<16xf32>
        %add3A_758 = arith.addf %add3A_700, %get3A_757 : vector<16xf32>
        %get3A_759 = arith.constant 1 : i32
        %get3A_760 = arith.index_cast %get3A_759 : i32 to index
        %get3A_761 = arith.index_cast %scan3A_709 : i32 to index
        %get3A_762 = arith.constant 112 : index
        %get3A_763 = tpu.vector_load %arg6[%get3A_760, %get3A_761, %get3A_762] {strides = array<i32>} : memref<3x200x128xf32, #tpu.memory_space<vmem>>, vector<1x1x16xf32>,
        %get3A_764 = vector.shape_cast %get3A_763 : vector<1x1x16xf32> to vector<16xf32>
        %add3A_765 = arith.addf %add3A_707, %get3A_764 : vector<16xf32>
        scf.yield %add3A_716, %add3A_723, %add3A_730, %add3A_737, %add3A_744, %add3A_751, %add3A_758, %add3A_765 : vector<16xf32>, vector<16xf32>, vector<16xf32>, vector<16xf32>, vector<16xf32>, vector<16xf32>, vector<16xf32>, vector<16xf32>
      }
      %scan3A_392 = arith.constant 200 : i32
      %swap3A_393 = arith.index_cast %add3A_355 : i32 to index
      %swap3A_394 = arith.constant 0 : index
      %swap3A_395 = tpu.vector_load %arg7[%swap3A_393, %swap3A_394] {strides = array<i32>} : memref<128x128xf32, #tpu.memory_space<vmem>>, vector<1x16xf32>,
      %swap3A_396 = vector.shape_cast %swap3A_395 : vector<1x16xf32> to vector<16xf32>
      %swap3A_397 = vector.shape_cast %scan3A_391#0 : vector<16xf32> to vector<1x16xf32>
      tpu.vector_store %arg7[%swap3A_393, %swap3A_394], %swap3A_397 {strides = array<i32>} : memref<128x128xf32, #tpu.memory_space<vmem>>, vector<1x16xf32>,
      %swap3A_398 = arith.index_cast %add3A_355 : i32 to index
      %swap3A_399 = arith.constant 16 : index
      %swap3A_400 = tpu.vector_load %arg7[%swap3A_398, %swap3A_399] {strides = array<i32>} : memref<128x128xf32, #tpu.memory_space<vmem>>, vector<1x16xf32>,
      %swap3A_401 = vector.shape_cast %swap3A_400 : vector<1x16xf32> to vector<16xf32>
      %swap3A_402 = vector.shape_cast %scan3A_391#1 : vector<16xf32> to vector<1x16xf32>
      tpu.vector_store %arg7[%swap3A_398, %swap3A_399], %swap3A_402 {strides = array<i32>} : memref<128x128xf32, #tpu.memory_space<vmem>>, vector<1x16xf32>,
      %swap3A_403 = arith.index_cast %add3A_355 : i32 to index
      %swap3A_404 = arith.constant 32 : index
      %swap3A_405 = tpu.vector_load %arg7[%swap3A_403, %swap3A_404] {strides = array<i32>} : memref<128x128xf32, #tpu.memory_space<vmem>>, vector<1x16xf32>,
      %swap3A_406 = vector.shape_cast %swap3A_405 : vector<1x16xf32> to vector<16xf32>
      %swap3A_407 = vector.shape_cast %scan3A_391#2 : vector<16xf32> to vector<1x16xf32>
      tpu.vector_store %arg7[%swap3A_403, %swap3A_404], %swap3A_407 {strides = array<i32>} : memref<128x128xf32, #tpu.memory_space<vmem>>, vector<1x16xf32>,
      %swap3A_408 = arith.index_cast %add3A_355 : i32 to index
      %swap3A_409 = arith.constant 48 : index
      %swap3A_410 = tpu.vector_load %arg7[%swap3A_408, %swap3A_409] {strides = array<i32>} : memref<128x128xf32, #tpu.memory_space<vmem>>, vector<1x16xf32>,
      %swap3A_411 = vector.shape_cast %swap3A_410 : vector<1x16xf32> to vector<16xf32>
      %swap3A_412 = vector.shape_cast %scan3A_391#3 : vector<16xf32> to vector<1x16xf32>
      tpu.vector_store %arg7[%swap3A_408, %swap3A_409], %swap3A_412 {strides = array<i32>} : memref<128x128xf32, #tpu.memory_space<vmem>>, vector<1x16xf32>,
      %swap3A_413 = arith.index_cast %add3A_355 : i32 to index
      %swap3A_414 = arith.constant 64 : index
      %swap3A_415 = tpu.vector_load %arg7[%swap3A_413, %swap3A_414] {strides = array<i32>} : memref<128x128xf32, #tpu.memory_space<vmem>>, vector<1x16xf32>,
      %swap3A_416 = vector.shape_cast %swap3A_415 : vector<1x16xf32> to vector<16xf32>
      %swap3A_417 = vector.shape_cast %scan3A_391#4 : vector<16xf32> to vector<1x16xf32>
      tpu.vector_store %arg7[%swap3A_413, %swap3A_414], %swap3A_417 {strides = array<i32>} : memref<128x128xf32, #tpu.memory_space<vmem>>, vector<1x16xf32>,
      %swap3A_418 = arith.index_cast %add3A_355 : i32 to index
      %swap3A_419 = arith.constant 80 : index
      %swap3A_420 = tpu.vector_load %arg7[%swap3A_418, %swap3A_419] {strides = array<i32>} : memref<128x128xf32, #tpu.memory_space<vmem>>, vector<1x16xf32>,
      %swap3A_421 = vector.shape_cast %swap3A_420 : vector<1x16xf32> to vector<16xf32>
      %swap3A_422 = vector.shape_cast %scan3A_391#5 : vector<16xf32> to vector<1x16xf32>
      tpu.vector_store %arg7[%swap3A_418, %swap3A_419], %swap3A_422 {strides = array<i32>} : memref<128x128xf32, #tpu.memory_space<vmem>>, vector<1x16xf32>,
      %swap3A_423 = arith.index_cast %add3A_355 : i32 to index
      %swap3A_424 = arith.constant 96 : index
      %swap3A_425 = tpu.vector_load %arg7[%swap3A_423, %swap3A_424] {strides = array<i32>} : memref<128x128xf32, #tpu.memory_space<vmem>>, vector<1x16xf32>,
      %swap3A_426 = vector.shape_cast %swap3A_425 : vector<1x16xf32> to vector<16xf32>
      %swap3A_427 = vector.shape_cast %scan3A_391#6 : vector<16xf32> to vector<1x16xf32>
      tpu.vector_store %arg7[%swap3A_423, %swap3A_424], %swap3A_427 {strides = array<i32>} : memref<128x128xf32, #tpu.memory_space<vmem>>, vector<1x16xf32>,
      %swap3A_428 = arith.index_cast %add3A_355 : i32 to index
      %swap3A_429 = arith.constant 112 : index
      %swap3A_430 = tpu.vector_load %arg7[%swap3A_428, %swap3A_429] {strides = array<i32>} : memref<128x128xf32, #tpu.memory_space<vmem>>, vector<1x16xf32>,
      %swap3A_431 = vector.shape_cast %swap3A_430 : vector<1x16xf32> to vector<16xf32>
      %swap3A_432 = vector.shape_cast %scan3A_391#7 : vector<16xf32> to vector<1x16xf32>
      tpu.vector_store %arg7[%swap3A_428, %swap3A_429], %swap3A_432 {strides = array<i32>} : memref<128x128xf32, #tpu.memory_space<vmem>>, vector<1x16xf32>,
      %add3A_433 = arith.constant 3 : i32
      %add3A_434 = arith.addi %add3A_355, %add3A_433 : i32
      %lt3A_435 = arith.constant 128 : i32
      %lt3A_436 = arith.cmpi slt, %add3A_434, %lt3A_435 : i32
      %convert_element_type3A_437 = arith.extui %lt3A_436 : i1 to i32
      %cond3A_438 = arith.constant 0 : i32
      %cond3A_439 = arith.cmpi ne, %convert_element_type3A_437, %cond3A_438 : i32
      scf.if %cond3A_439 {
        %add3A_528 = arith.constant 3 : i32
        %add3A_529 = arith.addi %add3A_355, %add3A_528 : i32
        %dma_start3A_530 = arith.constant 1 : i32
        %dma_start3A_531 = arith.constant 0 : i32
        %dma_start3A_532 = arith.constant 0 : i32
        %dma_start3A_533 = tpu.memref_slice %arg6[%dma_start3A_530, %dma_start3A_531, %dma_start3A_532] : memref<3x200x128xf32, #tpu.memory_space<vmem>> -> memref<1x200x128xf32, #tpu.memory_space<vmem>>
        %dma_start3A_534 = tpu.memref_squeeze %dma_start3A_533 : memref<1x200x128xf32, #tpu.memory_space<vmem>> -> memref<200x128xf32, #tpu.memory_space<vmem>>
        %dma_start3A_535 = arith.constant 0 : i32
        %dma_start3A_536 = arith.constant 0 : i32
        %dma_start3A_537 = tpu.memref_slice %dma_start3A_534[%dma_start3A_535, %dma_start3A_536] : memref<200x128xf32, #tpu.memory_space<vmem>> -> memref<128x128xf32, #tpu.memory_space<vmem>>
        %dma_start3A_538 = arith.constant 0 : i32
        %dma_start3A_539 = tpu.memref_slice %arg5[%add3A_529, %dma_start3A_538] : memref<128x200xi32, #tpu.memory_space<vmem>> -> memref<1x128xi32, #tpu.memory_space<vmem>>
        %dma_start3A_540 = tpu.memref_squeeze %dma_start3A_539 : memref<1x128xi32, #tpu.memory_space<vmem>> -> memref<128xi32, #tpu.memory_space<vmem>>
        %dma_start3A_541 = arith.constant 0 : i32
        %dma_start3A_542 = arith.constant 0 : i32
        %dma_start3A_543 = tpu.memref_slice %arg3[%dma_start3A_541, %dma_start3A_542] : memref<100000x128xf32, #tpu.memory_space<hbm>> -> memref<100000x128xf32, #tpu.memory_space<hbm>>
        tpu.enqueue_indirect_dma source(%dma_start3A_543 : memref<100000x128xf32, #tpu.memory_space<hbm>>) target(%dma_start3A_537 : memref<128x128xf32, #tpu.memory_space<vmem>>) offsets(%dma_start3A_540 : memref<128xi32, #tpu.memory_space<vmem>>) semaphore(%arg9 : memref<!tpu.dma_semaphore, #tpu.memory_space<semaphore_mem>>)
        %dma_start3A_544 = arith.constant 1 : i32
        %dma_start3A_545 = arith.constant 0 : i32
        %dma_start3A_546 = arith.constant 0 : i32
        %dma_start3A_547 = tpu.memref_slice %arg6[%dma_start3A_544, %dma_start3A_545, %dma_start3A_546] : memref<3x200x128xf32, #tpu.memory_space<vmem>> -> memref<1x200x128xf32, #tpu.memory_space<vmem>>
        %dma_start3A_548 = tpu.memref_squeeze %dma_start3A_547 : memref<1x200x128xf32, #tpu.memory_space<vmem>> -> memref<200x128xf32, #tpu.memory_space<vmem>>
        %dma_start3A_549 = arith.constant 128 : i32
        %dma_start3A_550 = arith.constant 0 : i32
        %dma_start3A_551 = tpu.memref_slice %dma_start3A_548[%dma_start3A_549, %dma_start3A_550] : memref<200x128xf32, #tpu.memory_space<vmem>> -> memref<72x128xf32, #tpu.memory_space<vmem>>
        %dma_start3A_552 = arith.constant 128 : i32
        %dma_start3A_553 = tpu.memref_slice %arg5[%add3A_529, %dma_start3A_552] : memref<128x200xi32, #tpu.memory_space<vmem>> -> memref<1x72xi32, #tpu.memory_space<vmem>>
        %dma_start3A_554 = tpu.memref_squeeze %dma_start3A_553 : memref<1x72xi32, #tpu.memory_space<vmem>> -> memref<72xi32, #tpu.memory_space<vmem>>
        %dma_start3A_555 = arith.constant 0 : i32
        %dma_start3A_556 = arith.constant 0 : i32
        %dma_start3A_557 = tpu.memref_slice %arg3[%dma_start3A_555, %dma_start3A_556] : memref<100000x128xf32, #tpu.memory_space<hbm>> -> memref<100000x128xf32, #tpu.memory_space<hbm>>
        tpu.enqueue_indirect_dma source(%dma_start3A_557 : memref<100000x128xf32, #tpu.memory_space<hbm>>) target(%dma_start3A_551 : memref<72x128xf32, #tpu.memory_space<vmem>>) offsets(%dma_start3A_554 : memref<72xi32, #tpu.memory_space<vmem>>) semaphore(%arg9 : memref<!tpu.dma_semaphore, #tpu.memory_space<semaphore_mem>>)
      } else {
      }
      %mul3A_440 = arith.constant 3 : i32
      %mul3A_441 = arith.muli %mul3A_440, %scan3A_266 : i32
      %add3A_442 = arith.constant 2 : i32
      %add3A_443 = arith.addi %mul3A_441, %add3A_442 : i32
      %dma_wait3A_444 = arith.constant 2 : i32
      %dma_wait3A_445 = arith.constant 0 : i32
      %dma_wait3A_446 = arith.constant 0 : i32
      %dma_wait3A_447 = tpu.memref_slice %arg6[%dma_wait3A_444, %dma_wait3A_445, %dma_wait3A_446] : memref<3x200x128xf32, #tpu.memory_space<vmem>> -> memref<1x200x128xf32, #tpu.memory_space<vmem>>
      %dma_wait3A_448 = tpu.memref_squeeze %dma_wait3A_447 : memref<1x200x128xf32, #tpu.memory_space<vmem>> -> memref<200x128xf32, #tpu.memory_space<vmem>>
      %dma_wait3A_449 = arith.constant 0 : i32
      %dma_wait3A_450 = arith.constant 0 : i32
      %dma_wait3A_451 = tpu.memref_slice %arg3[%dma_wait3A_449, %dma_wait3A_450] : memref<100000x128xf32, #tpu.memory_space<hbm>> -> memref<200x128xf32, #tpu.memory_space<hbm>>
      %dma_wait3A_452 = arith.constant 0 : i32
      %dma_wait3A_453 = arith.constant 0 : i32
      %dma_wait3A_454 = tpu.memref_slice %arg6[%dma_wait3A_444, %dma_wait3A_452, %dma_wait3A_453] : memref<3x200x128xf32, #tpu.memory_space<vmem>> -> memref<1x200x128xf32, #tpu.memory_space<vmem>>
      %dma_wait3A_455 = tpu.memref_squeeze %dma_wait3A_454 : memref<1x200x128xf32, #tpu.memory_space<vmem>> -> memref<200x128xf32, #tpu.memory_space<vmem>>
      %dma_wait3A_456 = arith.constant 0 : i32
      %dma_wait3A_457 = arith.constant 0 : i32
      %dma_wait3A_458 = tpu.memref_slice %arg3[%dma_wait3A_456, %dma_wait3A_457] : memref<100000x128xf32, #tpu.memory_space<hbm>> -> memref<200x128xf32, #tpu.memory_space<hbm>>
      tpu.wait_dma2 semaphore(%arg10 : memref<!tpu.dma_semaphore, #tpu.memory_space<semaphore_mem>>) src(%dma_wait3A_458 : memref<200x128xf32, #tpu.memory_space<hbm>>) dst(%dma_wait3A_455 : memref<200x128xf32, #tpu.memory_space<vmem>>)
      %broadcast_in_dim3A_459 = arith.constant 0.000000e+00 : f32
      %broadcast_in_dim3A_460 = vector.broadcast %broadcast_in_dim3A_459 : f32 to vector<16xf32>
      %broadcast_in_dim3A_461 = arith.constant 0.000000e+00 : f32
      %broadcast_in_dim3A_462 = vector.broadcast %broadcast_in_dim3A_461 : f32 to vector<16xf32>
      %broadcast_in_dim3A_463 = arith.constant 0.000000e+00 : f32
      %broadcast_in_dim3A_464 = vector.broadcast %broadcast_in_dim3A_463 : f32 to vector<16xf32>
      %broadcast_in_dim3A_465 = arith.constant 0.000000e+00 : f32
      %broadcast_in_dim3A_466 = vector.broadcast %broadcast_in_dim3A_465 : f32 to vector<16xf32>
      %broadcast_in_dim3A_467 = arith.constant 0.000000e+00 : f32
      %broadcast_in_dim3A_468 = vector.broadcast %broadcast_in_dim3A_467 : f32 to vector<16xf32>
      %broadcast_in_dim3A_469 = arith.constant 0.000000e+00 : f32
      %broadcast_in_dim3A_470 = vector.broadcast %broadcast_in_dim3A_469 : f32 to vector<16xf32>
      %broadcast_in_dim3A_471 = arith.constant 0.000000e+00 : f32
      %broadcast_in_dim3A_472 = vector.broadcast %broadcast_in_dim3A_471 : f32 to vector<16xf32>
      %broadcast_in_dim3A_473 = arith.constant 0.000000e+00 : f32
      %broadcast_in_dim3A_474 = vector.broadcast %broadcast_in_dim3A_473 : f32 to vector<16xf32>
      %scan3A_475 = arith.constant 0 : i32
      %scan3A_476 = arith.constant 200 : i32
      %scan3A_477 = arith.addi %scan3A_475, %scan3A_476 : i32
      %scan3A_478 = arith.constant 4 : i32
      %scan3A_479:8 = scf.for %scan3A_528 = %scan3A_475 to %scan3A_477 step %scan3A_478 iter_args(%scan3A_529 = %broadcast_in_dim3A_460, %scan3A_530 = %broadcast_in_dim3A_462, %scan3A_531 = %broadcast_in_dim3A_464, %scan3A_532 = %broadcast_in_dim3A_466, %scan3A_533 = %broadcast_in_dim3A_468, %scan3A_534 = %broadcast_in_dim3A_470, %scan3A_535 = %broadcast_in_dim3A_472, %scan3A_536 = %broadcast_in_dim3A_474) -> (vector<16xf32>, vector<16xf32>, vector<16xf32>, vector<16xf32>, vector<16xf32>, vector<16xf32>, vector<16xf32>, vector<16xf32>)  : i32 {
        %get3A = arith.constant 2 : i32
        %get3A_537 = arith.index_cast %get3A : i32 to index
        %get3A_538 = arith.index_cast %scan3A_528 : i32 to index
        %get3A_539 = arith.constant 0 : index
        %get3A_540 = tpu.vector_load %arg6[%get3A_537, %get3A_538, %get3A_539] {strides = array<i32>} : memref<3x200x128xf32, #tpu.memory_space<vmem>>, vector<1x1x16xf32>,
        %get3A_541 = vector.shape_cast %get3A_540 : vector<1x1x16xf32> to vector<16xf32>
        %add3A_542 = arith.addf %scan3A_529, %get3A_541 : vector<16xf32>
        %get3A_543 = arith.constant 2 : i32
        %get3A_544 = arith.index_cast %get3A_543 : i32 to index
        %get3A_545 = arith.index_cast %scan3A_528 : i32 to index
        %get3A_546 = arith.constant 16 : index
        %get3A_547 = tpu.vector_load %arg6[%get3A_544, %get3A_545, %get3A_546] {strides = array<i32>} : memref<3x200x128xf32, #tpu.memory_space<vmem>>, vector<1x1x16xf32>,
        %get3A_548 = vector.shape_cast %get3A_547 : vector<1x1x16xf32> to vector<16xf32>
        %add3A_549 = arith.addf %scan3A_530, %get3A_548 : vector<16xf32>
        %get3A_550 = arith.constant 2 : i32
        %get3A_551 = arith.index_cast %get3A_550 : i32 to index
        %get3A_552 = arith.index_cast %scan3A_528 : i32 to index
        %get3A_553 = arith.constant 32 : index
        %get3A_554 = tpu.vector_load %arg6[%get3A_551, %get3A_552, %get3A_553] {strides = array<i32>} : memref<3x200x128xf32, #tpu.memory_space<vmem>>, vector<1x1x16xf32>,
        %get3A_555 = vector.shape_cast %get3A_554 : vector<1x1x16xf32> to vector<16xf32>
        %add3A_556 = arith.addf %scan3A_531, %get3A_555 : vector<16xf32>
        %get3A_557 = arith.constant 2 : i32
        %get3A_558 = arith.index_cast %get3A_557 : i32 to index
        %get3A_559 = arith.index_cast %scan3A_528 : i32 to index
        %get3A_560 = arith.constant 48 : index
        %get3A_561 = tpu.vector_load %arg6[%get3A_558, %get3A_559, %get3A_560] {strides = array<i32>} : memref<3x200x128xf32, #tpu.memory_space<vmem>>, vector<1x1x16xf32>,
        %get3A_562 = vector.shape_cast %get3A_561 : vector<1x1x16xf32> to vector<16xf32>
        %add3A_563 = arith.addf %scan3A_532, %get3A_562 : vector<16xf32>
        %get3A_564 = arith.constant 2 : i32
        %get3A_565 = arith.index_cast %get3A_564 : i32 to index
        %get3A_566 = arith.index_cast %scan3A_528 : i32 to index
        %get3A_567 = arith.constant 64 : index
        %get3A_568 = tpu.vector_load %arg6[%get3A_565, %get3A_566, %get3A_567] {strides = array<i32>} : memref<3x200x128xf32, #tpu.memory_space<vmem>>, vector<1x1x16xf32>,
        %get3A_569 = vector.shape_cast %get3A_568 : vector<1x1x16xf32> to vector<16xf32>
        %add3A_570 = arith.addf %scan3A_533, %get3A_569 : vector<16xf32>
        %get3A_571 = arith.constant 2 : i32
        %get3A_572 = arith.index_cast %get3A_571 : i32 to index
        %get3A_573 = arith.index_cast %scan3A_528 : i32 to index
        %get3A_574 = arith.constant 80 : index
        %get3A_575 = tpu.vector_load %arg6[%get3A_572, %get3A_573, %get3A_574] {strides = array<i32>} : memref<3x200x128xf32, #tpu.memory_space<vmem>>, vector<1x1x16xf32>,
        %get3A_576 = vector.shape_cast %get3A_575 : vector<1x1x16xf32> to vector<16xf32>
        %add3A_577 = arith.addf %scan3A_534, %get3A_576 : vector<16xf32>
        %get3A_578 = arith.constant 2 : i32
        %get3A_579 = arith.index_cast %get3A_578 : i32 to index
        %get3A_580 = arith.index_cast %scan3A_528 : i32 to index
        %get3A_581 = arith.constant 96 : index
        %get3A_582 = tpu.vector_load %arg6[%get3A_579, %get3A_580, %get3A_581] {strides = array<i32>} : memref<3x200x128xf32, #tpu.memory_space<vmem>>, vector<1x1x16xf32>,
        %get3A_583 = vector.shape_cast %get3A_582 : vector<1x1x16xf32> to vector<16xf32>
        %add3A_584 = arith.addf %scan3A_535, %get3A_583 : vector<16xf32>
        %get3A_585 = arith.constant 2 : i32
        %get3A_586 = arith.index_cast %get3A_585 : i32 to index
        %get3A_587 = arith.index_cast %scan3A_528 : i32 to index
        %get3A_588 = arith.constant 112 : index
        %get3A_589 = tpu.vector_load %arg6[%get3A_586, %get3A_587, %get3A_588] {strides = array<i32>} : memref<3x200x128xf32, #tpu.memory_space<vmem>>, vector<1x1x16xf32>,
        %get3A_590 = vector.shape_cast %get3A_589 : vector<1x1x16xf32> to vector<16xf32>
        %add3A_591 = arith.addf %scan3A_536, %get3A_590 : vector<16xf32>
        %scan3A_592 = arith.constant 1 : i32
        %scan3A_593 = arith.addi %scan3A_528, %scan3A_592 : i32
        %get3A_594 = arith.constant 2 : i32
        %get3A_595 = arith.index_cast %get3A_594 : i32 to index
        %get3A_596 = arith.index_cast %scan3A_593 : i32 to index
        %get3A_597 = arith.constant 0 : index
        %get3A_598 = tpu.vector_load %arg6[%get3A_595, %get3A_596, %get3A_597] {strides = array<i32>} : memref<3x200x128xf32, #tpu.memory_space<vmem>>, vector<1x1x16xf32>,
        %get3A_599 = vector.shape_cast %get3A_598 : vector<1x1x16xf32> to vector<16xf32>
        %add3A_600 = arith.addf %add3A_542, %get3A_599 : vector<16xf32>
        %get3A_601 = arith.constant 2 : i32
        %get3A_602 = arith.index_cast %get3A_601 : i32 to index
        %get3A_603 = arith.index_cast %scan3A_593 : i32 to index
        %get3A_604 = arith.constant 16 : index
        %get3A_605 = tpu.vector_load %arg6[%get3A_602, %get3A_603, %get3A_604] {strides = array<i32>} : memref<3x200x128xf32, #tpu.memory_space<vmem>>, vector<1x1x16xf32>,
        %get3A_606 = vector.shape_cast %get3A_605 : vector<1x1x16xf32> to vector<16xf32>
        %add3A_607 = arith.addf %add3A_549, %get3A_606 : vector<16xf32>
        %get3A_608 = arith.constant 2 : i32
        %get3A_609 = arith.index_cast %get3A_608 : i32 to index
        %get3A_610 = arith.index_cast %scan3A_593 : i32 to index
        %get3A_611 = arith.constant 32 : index
        %get3A_612 = tpu.vector_load %arg6[%get3A_609, %get3A_610, %get3A_611] {strides = array<i32>} : memref<3x200x128xf32, #tpu.memory_space<vmem>>, vector<1x1x16xf32>,
        %get3A_613 = vector.shape_cast %get3A_612 : vector<1x1x16xf32> to vector<16xf32>
        %add3A_614 = arith.addf %add3A_556, %get3A_613 : vector<16xf32>
        %get3A_615 = arith.constant 2 : i32
        %get3A_616 = arith.index_cast %get3A_615 : i32 to index
        %get3A_617 = arith.index_cast %scan3A_593 : i32 to index
        %get3A_618 = arith.constant 48 : index
        %get3A_619 = tpu.vector_load %arg6[%get3A_616, %get3A_617, %get3A_618] {strides = array<i32>} : memref<3x200x128xf32, #tpu.memory_space<vmem>>, vector<1x1x16xf32>,
        %get3A_620 = vector.shape_cast %get3A_619 : vector<1x1x16xf32> to vector<16xf32>
        %add3A_621 = arith.addf %add3A_563, %get3A_620 : vector<16xf32>
        %get3A_622 = arith.constant 2 : i32
        %get3A_623 = arith.index_cast %get3A_622 : i32 to index
        %get3A_624 = arith.index_cast %scan3A_593 : i32 to index
        %get3A_625 = arith.constant 64 : index
        %get3A_626 = tpu.vector_load %arg6[%get3A_623, %get3A_624, %get3A_625] {strides = array<i32>} : memref<3x200x128xf32, #tpu.memory_space<vmem>>, vector<1x1x16xf32>,
        %get3A_627 = vector.shape_cast %get3A_626 : vector<1x1x16xf32> to vector<16xf32>
        %add3A_628 = arith.addf %add3A_570, %get3A_627 : vector<16xf32>
        %get3A_629 = arith.constant 2 : i32
        %get3A_630 = arith.index_cast %get3A_629 : i32 to index
        %get3A_631 = arith.index_cast %scan3A_593 : i32 to index
        %get3A_632 = arith.constant 80 : index
        %get3A_633 = tpu.vector_load %arg6[%get3A_630, %get3A_631, %get3A_632] {strides = array<i32>} : memref<3x200x128xf32, #tpu.memory_space<vmem>>, vector<1x1x16xf32>,
        %get3A_634 = vector.shape_cast %get3A_633 : vector<1x1x16xf32> to vector<16xf32>
        %add3A_635 = arith.addf %add3A_577, %get3A_634 : vector<16xf32>
        %get3A_636 = arith.constant 2 : i32
        %get3A_637 = arith.index_cast %get3A_636 : i32 to index
        %get3A_638 = arith.index_cast %scan3A_593 : i32 to index
        %get3A_639 = arith.constant 96 : index
        %get3A_640 = tpu.vector_load %arg6[%get3A_637, %get3A_638, %get3A_639] {strides = array<i32>} : memref<3x200x128xf32, #tpu.memory_space<vmem>>, vector<1x1x16xf32>,
        %get3A_641 = vector.shape_cast %get3A_640 : vector<1x1x16xf32> to vector<16xf32>
        %add3A_642 = arith.addf %add3A_584, %get3A_641 : vector<16xf32>
        %get3A_643 = arith.constant 2 : i32
        %get3A_644 = arith.index_cast %get3A_643 : i32 to index
        %get3A_645 = arith.index_cast %scan3A_593 : i32 to index
        %get3A_646 = arith.constant 112 : index
        %get3A_647 = tpu.vector_load %arg6[%get3A_644, %get3A_645, %get3A_646] {strides = array<i32>} : memref<3x200x128xf32, #tpu.memory_space<vmem>>, vector<1x1x16xf32>,
        %get3A_648 = vector.shape_cast %get3A_647 : vector<1x1x16xf32> to vector<16xf32>
        %add3A_649 = arith.addf %add3A_591, %get3A_648 : vector<16xf32>
        %scan3A_650 = arith.constant 2 : i32
        %scan3A_651 = arith.addi %scan3A_528, %scan3A_650 : i32
        %get3A_652 = arith.constant 2 : i32
        %get3A_653 = arith.index_cast %get3A_652 : i32 to index
        %get3A_654 = arith.index_cast %scan3A_651 : i32 to index
        %get3A_655 = arith.constant 0 : index
        %get3A_656 = tpu.vector_load %arg6[%get3A_653, %get3A_654, %get3A_655] {strides = array<i32>} : memref<3x200x128xf32, #tpu.memory_space<vmem>>, vector<1x1x16xf32>,
        %get3A_657 = vector.shape_cast %get3A_656 : vector<1x1x16xf32> to vector<16xf32>
        %add3A_658 = arith.addf %add3A_600, %get3A_657 : vector<16xf32>
        %get3A_659 = arith.constant 2 : i32
        %get3A_660 = arith.index_cast %get3A_659 : i32 to index
        %get3A_661 = arith.index_cast %scan3A_651 : i32 to index
        %get3A_662 = arith.constant 16 : index
        %get3A_663 = tpu.vector_load %arg6[%get3A_660, %get3A_661, %get3A_662] {strides = array<i32>} : memref<3x200x128xf32, #tpu.memory_space<vmem>>, vector<1x1x16xf32>,
        %get3A_664 = vector.shape_cast %get3A_663 : vector<1x1x16xf32> to vector<16xf32>
        %add3A_665 = arith.addf %add3A_607, %get3A_664 : vector<16xf32>
        %get3A_666 = arith.constant 2 : i32
        %get3A_667 = arith.index_cast %get3A_666 : i32 to index
        %get3A_668 = arith.index_cast %scan3A_651 : i32 to index
        %get3A_669 = arith.constant 32 : index
        %get3A_670 = tpu.vector_load %arg6[%get3A_667, %get3A_668, %get3A_669] {strides = array<i32>} : memref<3x200x128xf32, #tpu.memory_space<vmem>>, vector<1x1x16xf32>,
        %get3A_671 = vector.shape_cast %get3A_670 : vector<1x1x16xf32> to vector<16xf32>
        %add3A_672 = arith.addf %add3A_614, %get3A_671 : vector<16xf32>
        %get3A_673 = arith.constant 2 : i32
        %get3A_674 = arith.index_cast %get3A_673 : i32 to index
        %get3A_675 = arith.index_cast %scan3A_651 : i32 to index
        %get3A_676 = arith.constant 48 : index
        %get3A_677 = tpu.vector_load %arg6[%get3A_674, %get3A_675, %get3A_676] {strides = array<i32>} : memref<3x200x128xf32, #tpu.memory_space<vmem>>, vector<1x1x16xf32>,
        %get3A_678 = vector.shape_cast %get3A_677 : vector<1x1x16xf32> to vector<16xf32>
        %add3A_679 = arith.addf %add3A_621, %get3A_678 : vector<16xf32>
        %get3A_680 = arith.constant 2 : i32
        %get3A_681 = arith.index_cast %get3A_680 : i32 to index
        %get3A_682 = arith.index_cast %scan3A_651 : i32 to index
        %get3A_683 = arith.constant 64 : index
        %get3A_684 = tpu.vector_load %arg6[%get3A_681, %get3A_682, %get3A_683] {strides = array<i32>} : memref<3x200x128xf32, #tpu.memory_space<vmem>>, vector<1x1x16xf32>,
        %get3A_685 = vector.shape_cast %get3A_684 : vector<1x1x16xf32> to vector<16xf32>
        %add3A_686 = arith.addf %add3A_628, %get3A_685 : vector<16xf32>
        %get3A_687 = arith.constant 2 : i32
        %get3A_688 = arith.index_cast %get3A_687 : i32 to index
        %get3A_689 = arith.index_cast %scan3A_651 : i32 to index
        %get3A_690 = arith.constant 80 : index
        %get3A_691 = tpu.vector_load %arg6[%get3A_688, %get3A_689, %get3A_690] {strides = array<i32>} : memref<3x200x128xf32, #tpu.memory_space<vmem>>, vector<1x1x16xf32>,
        %get3A_692 = vector.shape_cast %get3A_691 : vector<1x1x16xf32> to vector<16xf32>
        %add3A_693 = arith.addf %add3A_635, %get3A_692 : vector<16xf32>
        %get3A_694 = arith.constant 2 : i32
        %get3A_695 = arith.index_cast %get3A_694 : i32 to index
        %get3A_696 = arith.index_cast %scan3A_651 : i32 to index
        %get3A_697 = arith.constant 96 : index
        %get3A_698 = tpu.vector_load %arg6[%get3A_695, %get3A_696, %get3A_697] {strides = array<i32>} : memref<3x200x128xf32, #tpu.memory_space<vmem>>, vector<1x1x16xf32>,
        %get3A_699 = vector.shape_cast %get3A_698 : vector<1x1x16xf32> to vector<16xf32>
        %add3A_700 = arith.addf %add3A_642, %get3A_699 : vector<16xf32>
        %get3A_701 = arith.constant 2 : i32
        %get3A_702 = arith.index_cast %get3A_701 : i32 to index
        %get3A_703 = arith.index_cast %scan3A_651 : i32 to index
        %get3A_704 = arith.constant 112 : index
        %get3A_705 = tpu.vector_load %arg6[%get3A_702, %get3A_703, %get3A_704] {strides = array<i32>} : memref<3x200x128xf32, #tpu.memory_space<vmem>>, vector<1x1x16xf32>,
        %get3A_706 = vector.shape_cast %get3A_705 : vector<1x1x16xf32> to vector<16xf32>
        %add3A_707 = arith.addf %add3A_649, %get3A_706 : vector<16xf32>
        %scan3A_708 = arith.constant 3 : i32
        %scan3A_709 = arith.addi %scan3A_528, %scan3A_708 : i32
        %get3A_710 = arith.constant 2 : i32
        %get3A_711 = arith.index_cast %get3A_710 : i32 to index
        %get3A_712 = arith.index_cast %scan3A_709 : i32 to index
        %get3A_713 = arith.constant 0 : index
        %get3A_714 = tpu.vector_load %arg6[%get3A_711, %get3A_712, %get3A_713] {strides = array<i32>} : memref<3x200x128xf32, #tpu.memory_space<vmem>>, vector<1x1x16xf32>,
        %get3A_715 = vector.shape_cast %get3A_714 : vector<1x1x16xf32> to vector<16xf32>
        %add3A_716 = arith.addf %add3A_658, %get3A_715 : vector<16xf32>
        %get3A_717 = arith.constant 2 : i32
        %get3A_718 = arith.index_cast %get3A_717 : i32 to index
        %get3A_719 = arith.index_cast %scan3A_709 : i32 to index
        %get3A_720 = arith.constant 16 : index
        %get3A_721 = tpu.vector_load %arg6[%get3A_718, %get3A_719, %get3A_720] {strides = array<i32>} : memref<3x200x128xf32, #tpu.memory_space<vmem>>, vector<1x1x16xf32>,
        %get3A_722 = vector.shape_cast %get3A_721 : vector<1x1x16xf32> to vector<16xf32>
        %add3A_723 = arith.addf %add3A_665, %get3A_722 : vector<16xf32>
        %get3A_724 = arith.constant 2 : i32
        %get3A_725 = arith.index_cast %get3A_724 : i32 to index
        %get3A_726 = arith.index_cast %scan3A_709 : i32 to index
        %get3A_727 = arith.constant 32 : index
        %get3A_728 = tpu.vector_load %arg6[%get3A_725, %get3A_726, %get3A_727] {strides = array<i32>} : memref<3x200x128xf32, #tpu.memory_space<vmem>>, vector<1x1x16xf32>,
        %get3A_729 = vector.shape_cast %get3A_728 : vector<1x1x16xf32> to vector<16xf32>
        %add3A_730 = arith.addf %add3A_672, %get3A_729 : vector<16xf32>
        %get3A_731 = arith.constant 2 : i32
        %get3A_732 = arith.index_cast %get3A_731 : i32 to index
        %get3A_733 = arith.index_cast %scan3A_709 : i32 to index
        %get3A_734 = arith.constant 48 : index
        %get3A_735 = tpu.vector_load %arg6[%get3A_732, %get3A_733, %get3A_734] {strides = array<i32>} : memref<3x200x128xf32, #tpu.memory_space<vmem>>, vector<1x1x16xf32>,
        %get3A_736 = vector.shape_cast %get3A_735 : vector<1x1x16xf32> to vector<16xf32>
        %add3A_737 = arith.addf %add3A_679, %get3A_736 : vector<16xf32>
        %get3A_738 = arith.constant 2 : i32
        %get3A_739 = arith.index_cast %get3A_738 : i32 to index
        %get3A_740 = arith.index_cast %scan3A_709 : i32 to index
        %get3A_741 = arith.constant 64 : index
        %get3A_742 = tpu.vector_load %arg6[%get3A_739, %get3A_740, %get3A_741] {strides = array<i32>} : memref<3x200x128xf32, #tpu.memory_space<vmem>>, vector<1x1x16xf32>,
        %get3A_743 = vector.shape_cast %get3A_742 : vector<1x1x16xf32> to vector<16xf32>
        %add3A_744 = arith.addf %add3A_686, %get3A_743 : vector<16xf32>
        %get3A_745 = arith.constant 2 : i32
        %get3A_746 = arith.index_cast %get3A_745 : i32 to index
        %get3A_747 = arith.index_cast %scan3A_709 : i32 to index
        %get3A_748 = arith.constant 80 : index
        %get3A_749 = tpu.vector_load %arg6[%get3A_746, %get3A_747, %get3A_748] {strides = array<i32>} : memref<3x200x128xf32, #tpu.memory_space<vmem>>, vector<1x1x16xf32>,
        %get3A_750 = vector.shape_cast %get3A_749 : vector<1x1x16xf32> to vector<16xf32>
        %add3A_751 = arith.addf %add3A_693, %get3A_750 : vector<16xf32>
        %get3A_752 = arith.constant 2 : i32
        %get3A_753 = arith.index_cast %get3A_752 : i32 to index
        %get3A_754 = arith.index_cast %scan3A_709 : i32 to index
        %get3A_755 = arith.constant 96 : index
        %get3A_756 = tpu.vector_load %arg6[%get3A_753, %get3A_754, %get3A_755] {strides = array<i32>} : memref<3x200x128xf32, #tpu.memory_space<vmem>>, vector<1x1x16xf32>,
        %get3A_757 = vector.shape_cast %get3A_756 : vector<1x1x16xf32> to vector<16xf32>
        %add3A_758 = arith.addf %add3A_700, %get3A_757 : vector<16xf32>
        %get3A_759 = arith.constant 2 : i32
        %get3A_760 = arith.index_cast %get3A_759 : i32 to index
        %get3A_761 = arith.index_cast %scan3A_709 : i32 to index
        %get3A_762 = arith.constant 112 : index
        %get3A_763 = tpu.vector_load %arg6[%get3A_760, %get3A_761, %get3A_762] {strides = array<i32>} : memref<3x200x128xf32, #tpu.memory_space<vmem>>, vector<1x1x16xf32>,
        %get3A_764 = vector.shape_cast %get3A_763 : vector<1x1x16xf32> to vector<16xf32>
        %add3A_765 = arith.addf %add3A_707, %get3A_764 : vector<16xf32>
        scf.yield %add3A_716, %add3A_723, %add3A_730, %add3A_737, %add3A_744, %add3A_751, %add3A_758, %add3A_765 : vector<16xf32>, vector<16xf32>, vector<16xf32>, vector<16xf32>, vector<16xf32>, vector<16xf32>, vector<16xf32>, vector<16xf32>
      }
      %scan3A_480 = arith.constant 200 : i32
      %swap3A_481 = arith.index_cast %add3A_443 : i32 to index
      %swap3A_482 = arith.constant 0 : index
      %swap3A_483 = tpu.vector_load %arg7[%swap3A_481, %swap3A_482] {strides = array<i32>} : memref<128x128xf32, #tpu.memory_space<vmem>>, vector<1x16xf32>,
      %swap3A_484 = vector.shape_cast %swap3A_483 : vector<1x16xf32> to vector<16xf32>
      %swap3A_485 = vector.shape_cast %scan3A_479#0 : vector<16xf32> to vector<1x16xf32>
      tpu.vector_store %arg7[%swap3A_481, %swap3A_482], %swap3A_485 {strides = array<i32>} : memref<128x128xf32, #tpu.memory_space<vmem>>, vector<1x16xf32>,
      %swap3A_486 = arith.index_cast %add3A_443 : i32 to index
      %swap3A_487 = arith.constant 16 : index
      %swap3A_488 = tpu.vector_load %arg7[%swap3A_486, %swap3A_487] {strides = array<i32>} : memref<128x128xf32, #tpu.memory_space<vmem>>, vector<1x16xf32>,
      %swap3A_489 = vector.shape_cast %swap3A_488 : vector<1x16xf32> to vector<16xf32>
      %swap3A_490 = vector.shape_cast %scan3A_479#1 : vector<16xf32> to vector<1x16xf32>
      tpu.vector_store %arg7[%swap3A_486, %swap3A_487], %swap3A_490 {strides = array<i32>} : memref<128x128xf32, #tpu.memory_space<vmem>>, vector<1x16xf32>,
      %swap3A_491 = arith.index_cast %add3A_443 : i32 to index
      %swap3A_492 = arith.constant 32 : index
      %swap3A_493 = tpu.vector_load %arg7[%swap3A_491, %swap3A_492] {strides = array<i32>} : memref<128x128xf32, #tpu.memory_space<vmem>>, vector<1x16xf32>,
      %swap3A_494 = vector.shape_cast %swap3A_493 : vector<1x16xf32> to vector<16xf32>
      %swap3A_495 = vector.shape_cast %scan3A_479#2 : vector<16xf32> to vector<1x16xf32>
      tpu.vector_store %arg7[%swap3A_491, %swap3A_492], %swap3A_495 {strides = array<i32>} : memref<128x128xf32, #tpu.memory_space<vmem>>, vector<1x16xf32>,
      %swap3A_496 = arith.index_cast %add3A_443 : i32 to index
      %swap3A_497 = arith.constant 48 : index
      %swap3A_498 = tpu.vector_load %arg7[%swap3A_496, %swap3A_497] {strides = array<i32>} : memref<128x128xf32, #tpu.memory_space<vmem>>, vector<1x16xf32>,
      %swap3A_499 = vector.shape_cast %swap3A_498 : vector<1x16xf32> to vector<16xf32>
      %swap3A_500 = vector.shape_cast %scan3A_479#3 : vector<16xf32> to vector<1x16xf32>
      tpu.vector_store %arg7[%swap3A_496, %swap3A_497], %swap3A_500 {strides = array<i32>} : memref<128x128xf32, #tpu.memory_space<vmem>>, vector<1x16xf32>,
      %swap3A_501 = arith.index_cast %add3A_443 : i32 to index
      %swap3A_502 = arith.constant 64 : index
      %swap3A_503 = tpu.vector_load %arg7[%swap3A_501, %swap3A_502] {strides = array<i32>} : memref<128x128xf32, #tpu.memory_space<vmem>>, vector<1x16xf32>,
      %swap3A_504 = vector.shape_cast %swap3A_503 : vector<1x16xf32> to vector<16xf32>
      %swap3A_505 = vector.shape_cast %scan3A_479#4 : vector<16xf32> to vector<1x16xf32>
      tpu.vector_store %arg7[%swap3A_501, %swap3A_502], %swap3A_505 {strides = array<i32>} : memref<128x128xf32, #tpu.memory_space<vmem>>, vector<1x16xf32>,
      %swap3A_506 = arith.index_cast %add3A_443 : i32 to index
      %swap3A_507 = arith.constant 80 : index
      %swap3A_508 = tpu.vector_load %arg7[%swap3A_506, %swap3A_507] {strides = array<i32>} : memref<128x128xf32, #tpu.memory_space<vmem>>, vector<1x16xf32>,
      %swap3A_509 = vector.shape_cast %swap3A_508 : vector<1x16xf32> to vector<16xf32>
      %swap3A_510 = vector.shape_cast %scan3A_479#5 : vector<16xf32> to vector<1x16xf32>
      tpu.vector_store %arg7[%swap3A_506, %swap3A_507], %swap3A_510 {strides = array<i32>} : memref<128x128xf32, #tpu.memory_space<vmem>>, vector<1x16xf32>,
      %swap3A_511 = arith.index_cast %add3A_443 : i32 to index
      %swap3A_512 = arith.constant 96 : index
      %swap3A_513 = tpu.vector_load %arg7[%swap3A_511, %swap3A_512] {strides = array<i32>} : memref<128x128xf32, #tpu.memory_space<vmem>>, vector<1x16xf32>,
      %swap3A_514 = vector.shape_cast %swap3A_513 : vector<1x16xf32> to vector<16xf32>
      %swap3A_515 = vector.shape_cast %scan3A_479#6 : vector<16xf32> to vector<1x16xf32>
      tpu.vector_store %arg7[%swap3A_511, %swap3A_512], %swap3A_515 {strides = array<i32>} : memref<128x128xf32, #tpu.memory_space<vmem>>, vector<1x16xf32>,
      %swap3A_516 = arith.index_cast %add3A_443 : i32 to index
      %swap3A_517 = arith.constant 112 : index
      %swap3A_518 = tpu.vector_load %arg7[%swap3A_516, %swap3A_517] {strides = array<i32>} : memref<128x128xf32, #tpu.memory_space<vmem>>, vector<1x16xf32>,
      %swap3A_519 = vector.shape_cast %swap3A_518 : vector<1x16xf32> to vector<16xf32>
      %swap3A_520 = vector.shape_cast %scan3A_479#7 : vector<16xf32> to vector<1x16xf32>
      tpu.vector_store %arg7[%swap3A_516, %swap3A_517], %swap3A_520 {strides = array<i32>} : memref<128x128xf32, #tpu.memory_space<vmem>>, vector<1x16xf32>,
      %add3A_521 = arith.constant 3 : i32
      %add3A_522 = arith.addi %add3A_443, %add3A_521 : i32
      %lt3A_523 = arith.constant 128 : i32
      %lt3A_524 = arith.cmpi slt, %add3A_522, %lt3A_523 : i32
      %convert_element_type3A_525 = arith.extui %lt3A_524 : i1 to i32
      %cond3A_526 = arith.constant 0 : i32
      %cond3A_527 = arith.cmpi ne, %convert_element_type3A_525, %cond3A_526 : i32
      scf.if %cond3A_527 {
        %add3A_528 = arith.constant 3 : i32
        %add3A_529 = arith.addi %add3A_443, %add3A_528 : i32
        %dma_start3A_530 = arith.constant 2 : i32
        %dma_start3A_531 = arith.constant 0 : i32
        %dma_start3A_532 = arith.constant 0 : i32
        %dma_start3A_533 = tpu.memref_slice %arg6[%dma_start3A_530, %dma_start3A_531, %dma_start3A_532] : memref<3x200x128xf32, #tpu.memory_space<vmem>> -> memref<1x200x128xf32, #tpu.memory_space<vmem>>
        %dma_start3A_534 = tpu.memref_squeeze %dma_start3A_533 : memref<1x200x128xf32, #tpu.memory_space<vmem>> -> memref<200x128xf32, #tpu.memory_space<vmem>>
        %dma_start3A_535 = arith.constant 0 : i32
        %dma_start3A_536 = arith.constant 0 : i32
        %dma_start3A_537 = tpu.memref_slice %dma_start3A_534[%dma_start3A_535, %dma_start3A_536] : memref<200x128xf32, #tpu.memory_space<vmem>> -> memref<128x128xf32, #tpu.memory_space<vmem>>
        %dma_start3A_538 = arith.constant 0 : i32
        %dma_start3A_539 = tpu.memref_slice %arg5[%add3A_529, %dma_start3A_538] : memref<128x200xi32, #tpu.memory_space<vmem>> -> memref<1x128xi32, #tpu.memory_space<vmem>>
        %dma_start3A_540 = tpu.memref_squeeze %dma_start3A_539 : memref<1x128xi32, #tpu.memory_space<vmem>> -> memref<128xi32, #tpu.memory_space<vmem>>
        %dma_start3A_541 = arith.constant 0 : i32
        %dma_start3A_542 = arith.constant 0 : i32
        %dma_start3A_543 = tpu.memref_slice %arg3[%dma_start3A_541, %dma_start3A_542] : memref<100000x128xf32, #tpu.memory_space<hbm>> -> memref<100000x128xf32, #tpu.memory_space<hbm>>
        tpu.enqueue_indirect_dma source(%dma_start3A_543 : memref<100000x128xf32, #tpu.memory_space<hbm>>) target(%dma_start3A_537 : memref<128x128xf32, #tpu.memory_space<vmem>>) offsets(%dma_start3A_540 : memref<128xi32, #tpu.memory_space<vmem>>) semaphore(%arg10 : memref<!tpu.dma_semaphore, #tpu.memory_space<semaphore_mem>>)
        %dma_start3A_544 = arith.constant 2 : i32
        %dma_start3A_545 = arith.constant 0 : i32
        %dma_start3A_546 = arith.constant 0 : i32
        %dma_start3A_547 = tpu.memref_slice %arg6[%dma_start3A_544, %dma_start3A_545, %dma_start3A_546] : memref<3x200x128xf32, #tpu.memory_space<vmem>> -> memref<1x200x128xf32, #tpu.memory_space<vmem>>
        %dma_start3A_548 = tpu.memref_squeeze %dma_start3A_547 : memref<1x200x128xf32, #tpu.memory_space<vmem>> -> memref<200x128xf32, #tpu.memory_space<vmem>>
        %dma_start3A_549 = arith.constant 128 : i32
        %dma_start3A_550 = arith.constant 0 : i32
        %dma_start3A_551 = tpu.memref_slice %dma_start3A_548[%dma_start3A_549, %dma_start3A_550] : memref<200x128xf32, #tpu.memory_space<vmem>> -> memref<72x128xf32, #tpu.memory_space<vmem>>
        %dma_start3A_552 = arith.constant 128 : i32
        %dma_start3A_553 = tpu.memref_slice %arg5[%add3A_529, %dma_start3A_552] : memref<128x200xi32, #tpu.memory_space<vmem>> -> memref<1x72xi32, #tpu.memory_space<vmem>>
        %dma_start3A_554 = tpu.memref_squeeze %dma_start3A_553 : memref<1x72xi32, #tpu.memory_space<vmem>> -> memref<72xi32, #tpu.memory_space<vmem>>
        %dma_start3A_555 = arith.constant 0 : i32
        %dma_start3A_556 = arith.constant 0 : i32
        %dma_start3A_557 = tpu.memref_slice %arg3[%dma_start3A_555, %dma_start3A_556] : memref<100000x128xf32, #tpu.memory_space<hbm>> -> memref<100000x128xf32, #tpu.memory_space<hbm>>
        tpu.enqueue_indirect_dma source(%dma_start3A_557 : memref<100000x128xf32, #tpu.memory_space<hbm>>) target(%dma_start3A_551 : memref<72x128xf32, #tpu.memory_space<vmem>>) offsets(%dma_start3A_554 : memref<72xi32, #tpu.memory_space<vmem>>) semaphore(%arg10 : memref<!tpu.dma_semaphore, #tpu.memory_space<semaphore_mem>>)
      } else {
      }
    }
    %scan3A_96 = arith.constant 42 : i32
    %dma_wait3A = arith.constant 0 : i32
    %dma_wait3A_97 = arith.constant 0 : i32
    %dma_wait3A_98 = arith.constant 0 : i32
    %dma_wait3A_99 = tpu.memref_slice %arg6[%dma_wait3A, %dma_wait3A_97, %dma_wait3A_98] : memref<3x200x128xf32, #tpu.memory_space<vmem>> -> memref<1x200x128xf32, #tpu.memory_space<vmem>>
    %dma_wait3A_100 = tpu.memref_squeeze %dma_wait3A_99 : memref<1x200x128xf32, #tpu.memory_space<vmem>> -> memref<200x128xf32, #tpu.memory_space<vmem>>
    %dma_wait3A_101 = arith.constant 0 : i32
    %dma_wait3A_102 = arith.constant 0 : i32
    %dma_wait3A_103 = tpu.memref_slice %arg3[%dma_wait3A_101, %dma_wait3A_102] : memref<100000x128xf32, #tpu.memory_space<hbm>> -> memref<200x128xf32, #tpu.memory_space<hbm>>
    %dma_wait3A_104 = arith.constant 0 : i32
    %dma_wait3A_105 = arith.constant 0 : i32
    %dma_wait3A_106 = tpu.memref_slice %arg6[%dma_wait3A, %dma_wait3A_104, %dma_wait3A_105] : memref<3x200x128xf32, #tpu.memory_space<vmem>> -> memref<1x200x128xf32, #tpu.memory_space<vmem>>
    %dma_wait3A_107 = tpu.memref_squeeze %dma_wait3A_106 : memref<1x200x128xf32, #tpu.memory_space<vmem>> -> memref<200x128xf32, #tpu.memory_space<vmem>>
    %dma_wait3A_108 = arith.constant 0 : i32
    %dma_wait3A_109 = arith.constant 0 : i32
    %dma_wait3A_110 = tpu.memref_slice %arg3[%dma_wait3A_108, %dma_wait3A_109] : memref<100000x128xf32, #tpu.memory_space<hbm>> -> memref<200x128xf32, #tpu.memory_space<hbm>>
    tpu.wait_dma2 semaphore(%arg8 : memref<!tpu.dma_semaphore, #tpu.memory_space<semaphore_mem>>) src(%dma_wait3A_110 : memref<200x128xf32, #tpu.memory_space<hbm>>) dst(%dma_wait3A_107 : memref<200x128xf32, #tpu.memory_space<vmem>>)
    %broadcast_in_dim3A = arith.constant 0.000000e+00 : f32
    %broadcast_in_dim3A_111 = vector.broadcast %broadcast_in_dim3A : f32 to vector<16xf32>
    %broadcast_in_dim3A_112 = arith.constant 0.000000e+00 : f32
    %broadcast_in_dim3A_113 = vector.broadcast %broadcast_in_dim3A_112 : f32 to vector<16xf32>
    %broadcast_in_dim3A_114 = arith.constant 0.000000e+00 : f32
    %broadcast_in_dim3A_115 = vector.broadcast %broadcast_in_dim3A_114 : f32 to vector<16xf32>
    %broadcast_in_dim3A_116 = arith.constant 0.000000e+00 : f32
    %broadcast_in_dim3A_117 = vector.broadcast %broadcast_in_dim3A_116 : f32 to vector<16xf32>
    %broadcast_in_dim3A_118 = arith.constant 0.000000e+00 : f32
    %broadcast_in_dim3A_119 = vector.broadcast %broadcast_in_dim3A_118 : f32 to vector<16xf32>
    %broadcast_in_dim3A_120 = arith.constant 0.000000e+00 : f32
    %broadcast_in_dim3A_121 = vector.broadcast %broadcast_in_dim3A_120 : f32 to vector<16xf32>
    %broadcast_in_dim3A_122 = arith.constant 0.000000e+00 : f32
    %broadcast_in_dim3A_123 = vector.broadcast %broadcast_in_dim3A_122 : f32 to vector<16xf32>
    %broadcast_in_dim3A_124 = arith.constant 0.000000e+00 : f32
    %broadcast_in_dim3A_125 = vector.broadcast %broadcast_in_dim3A_124 : f32 to vector<16xf32>
    %scan3A_126 = arith.constant 0 : i32
    %scan3A_127 = arith.constant 200 : i32
    %scan3A_128 = arith.addi %scan3A_126, %scan3A_127 : i32
    %scan3A_129 = arith.constant 4 : i32
    %scan3A_130:8 = scf.for %scan3A_266 = %scan3A_126 to %scan3A_128 step %scan3A_129 iter_args(%scan3A_267 = %broadcast_in_dim3A_111, %scan3A_268 = %broadcast_in_dim3A_113, %scan3A_269 = %broadcast_in_dim3A_115, %scan3A_270 = %broadcast_in_dim3A_117, %scan3A_271 = %broadcast_in_dim3A_119, %scan3A_272 = %broadcast_in_dim3A_121, %scan3A_273 = %broadcast_in_dim3A_123, %scan3A_274 = %broadcast_in_dim3A_125) -> (vector<16xf32>, vector<16xf32>, vector<16xf32>, vector<16xf32>, vector<16xf32>, vector<16xf32>, vector<16xf32>, vector<16xf32>)  : i32 {
      %get3A = arith.constant 0 : i32
      %get3A_275 = arith.index_cast %get3A : i32 to index
      %get3A_276 = arith.index_cast %scan3A_266 : i32 to index
      %get3A_277 = arith.constant 0 : index
      %get3A_278 = tpu.vector_load %arg6[%get3A_275, %get3A_276, %get3A_277] {strides = array<i32>} : memref<3x200x128xf32, #tpu.memory_space<vmem>>, vector<1x1x16xf32>,
      %get3A_279 = vector.shape_cast %get3A_278 : vector<1x1x16xf32> to vector<16xf32>
      %add3A_280 = arith.addf %scan3A_267, %get3A_279 : vector<16xf32>
      %get3A_281 = arith.constant 0 : i32
      %get3A_282 = arith.index_cast %get3A_281 : i32 to index
      %get3A_283 = arith.index_cast %scan3A_266 : i32 to index
      %get3A_284 = arith.constant 16 : index
      %get3A_285 = tpu.vector_load %arg6[%get3A_282, %get3A_283, %get3A_284] {strides = array<i32>} : memref<3x200x128xf32, #tpu.memory_space<vmem>>, vector<1x1x16xf32>,
      %get3A_286 = vector.shape_cast %get3A_285 : vector<1x1x16xf32> to vector<16xf32>
      %add3A_287 = arith.addf %scan3A_268, %get3A_286 : vector<16xf32>
      %get3A_288 = arith.constant 0 : i32
      %get3A_289 = arith.index_cast %get3A_288 : i32 to index
      %get3A_290 = arith.index_cast %scan3A_266 : i32 to index
      %get3A_291 = arith.constant 32 : index
      %get3A_292 = tpu.vector_load %arg6[%get3A_289, %get3A_290, %get3A_291] {strides = array<i32>} : memref<3x200x128xf32, #tpu.memory_space<vmem>>, vector<1x1x16xf32>,
      %get3A_293 = vector.shape_cast %get3A_292 : vector<1x1x16xf32> to vector<16xf32>
      %add3A_294 = arith.addf %scan3A_269, %get3A_293 : vector<16xf32>
      %get3A_295 = arith.constant 0 : i32
      %get3A_296 = arith.index_cast %get3A_295 : i32 to index
      %get3A_297 = arith.index_cast %scan3A_266 : i32 to index
      %get3A_298 = arith.constant 48 : index
      %get3A_299 = tpu.vector_load %arg6[%get3A_296, %get3A_297, %get3A_298] {strides = array<i32>} : memref<3x200x128xf32, #tpu.memory_space<vmem>>, vector<1x1x16xf32>,
      %get3A_300 = vector.shape_cast %get3A_299 : vector<1x1x16xf32> to vector<16xf32>
      %add3A_301 = arith.addf %scan3A_270, %get3A_300 : vector<16xf32>
      %get3A_302 = arith.constant 0 : i32
      %get3A_303 = arith.index_cast %get3A_302 : i32 to index
      %get3A_304 = arith.index_cast %scan3A_266 : i32 to index
      %get3A_305 = arith.constant 64 : index
      %get3A_306 = tpu.vector_load %arg6[%get3A_303, %get3A_304, %get3A_305] {strides = array<i32>} : memref<3x200x128xf32, #tpu.memory_space<vmem>>, vector<1x1x16xf32>,
      %get3A_307 = vector.shape_cast %get3A_306 : vector<1x1x16xf32> to vector<16xf32>
      %add3A_308 = arith.addf %scan3A_271, %get3A_307 : vector<16xf32>
      %get3A_309 = arith.constant 0 : i32
      %get3A_310 = arith.index_cast %get3A_309 : i32 to index
      %get3A_311 = arith.index_cast %scan3A_266 : i32 to index
      %get3A_312 = arith.constant 80 : index
      %get3A_313 = tpu.vector_load %arg6[%get3A_310, %get3A_311, %get3A_312] {strides = array<i32>} : memref<3x200x128xf32, #tpu.memory_space<vmem>>, vector<1x1x16xf32>,
      %get3A_314 = vector.shape_cast %get3A_313 : vector<1x1x16xf32> to vector<16xf32>
      %add3A_315 = arith.addf %scan3A_272, %get3A_314 : vector<16xf32>
      %get3A_316 = arith.constant 0 : i32
      %get3A_317 = arith.index_cast %get3A_316 : i32 to index
      %get3A_318 = arith.index_cast %scan3A_266 : i32 to index
      %get3A_319 = arith.constant 96 : index
      %get3A_320 = tpu.vector_load %arg6[%get3A_317, %get3A_318, %get3A_319] {strides = array<i32>} : memref<3x200x128xf32, #tpu.memory_space<vmem>>, vector<1x1x16xf32>,
      %get3A_321 = vector.shape_cast %get3A_320 : vector<1x1x16xf32> to vector<16xf32>
      %add3A_322 = arith.addf %scan3A_273, %get3A_321 : vector<16xf32>
      %get3A_323 = arith.constant 0 : i32
      %get3A_324 = arith.index_cast %get3A_323 : i32 to index
      %get3A_325 = arith.index_cast %scan3A_266 : i32 to index
      %get3A_326 = arith.constant 112 : index
      %get3A_327 = tpu.vector_load %arg6[%get3A_324, %get3A_325, %get3A_326] {strides = array<i32>} : memref<3x200x128xf32, #tpu.memory_space<vmem>>, vector<1x1x16xf32>,
      %get3A_328 = vector.shape_cast %get3A_327 : vector<1x1x16xf32> to vector<16xf32>
      %add3A_329 = arith.addf %scan3A_274, %get3A_328 : vector<16xf32>
      %scan3A_330 = arith.constant 1 : i32
      %scan3A_331 = arith.addi %scan3A_266, %scan3A_330 : i32
      %get3A_332 = arith.constant 0 : i32
      %get3A_333 = arith.index_cast %get3A_332 : i32 to index
      %get3A_334 = arith.index_cast %scan3A_331 : i32 to index
      %get3A_335 = arith.constant 0 : index
      %get3A_336 = tpu.vector_load %arg6[%get3A_333, %get3A_334, %get3A_335] {strides = array<i32>} : memref<3x200x128xf32, #tpu.memory_space<vmem>>, vector<1x1x16xf32>,
      %get3A_337 = vector.shape_cast %get3A_336 : vector<1x1x16xf32> to vector<16xf32>
      %add3A_338 = arith.addf %add3A_280, %get3A_337 : vector<16xf32>
      %get3A_339 = arith.constant 0 : i32
      %get3A_340 = arith.index_cast %get3A_339 : i32 to index
      %get3A_341 = arith.index_cast %scan3A_331 : i32 to index
      %get3A_342 = arith.constant 16 : index
      %get3A_343 = tpu.vector_load %arg6[%get3A_340, %get3A_341, %get3A_342] {strides = array<i32>} : memref<3x200x128xf32, #tpu.memory_space<vmem>>, vector<1x1x16xf32>,
      %get3A_344 = vector.shape_cast %get3A_343 : vector<1x1x16xf32> to vector<16xf32>
      %add3A_345 = arith.addf %add3A_287, %get3A_344 : vector<16xf32>
      %get3A_346 = arith.constant 0 : i32
      %get3A_347 = arith.index_cast %get3A_346 : i32 to index
      %get3A_348 = arith.index_cast %scan3A_331 : i32 to index
      %get3A_349 = arith.constant 32 : index
      %get3A_350 = tpu.vector_load %arg6[%get3A_347, %get3A_348, %get3A_349] {strides = array<i32>} : memref<3x200x128xf32, #tpu.memory_space<vmem>>, vector<1x1x16xf32>,
      %get3A_351 = vector.shape_cast %get3A_350 : vector<1x1x16xf32> to vector<16xf32>
      %add3A_352 = arith.addf %add3A_294, %get3A_351 : vector<16xf32>
      %get3A_353 = arith.constant 0 : i32
      %get3A_354 = arith.index_cast %get3A_353 : i32 to index
      %get3A_355 = arith.index_cast %scan3A_331 : i32 to index
      %get3A_356 = arith.constant 48 : index
      %get3A_357 = tpu.vector_load %arg6[%get3A_354, %get3A_355, %get3A_356] {strides = array<i32>} : memref<3x200x128xf32, #tpu.memory_space<vmem>>, vector<1x1x16xf32>,
      %get3A_358 = vector.shape_cast %get3A_357 : vector<1x1x16xf32> to vector<16xf32>
      %add3A_359 = arith.addf %add3A_301, %get3A_358 : vector<16xf32>
      %get3A_360 = arith.constant 0 : i32
      %get3A_361 = arith.index_cast %get3A_360 : i32 to index
      %get3A_362 = arith.index_cast %scan3A_331 : i32 to index
      %get3A_363 = arith.constant 64 : index
      %get3A_364 = tpu.vector_load %arg6[%get3A_361, %get3A_362, %get3A_363] {strides = array<i32>} : memref<3x200x128xf32, #tpu.memory_space<vmem>>, vector<1x1x16xf32>,
      %get3A_365 = vector.shape_cast %get3A_364 : vector<1x1x16xf32> to vector<16xf32>
      %add3A_366 = arith.addf %add3A_308, %get3A_365 : vector<16xf32>
      %get3A_367 = arith.constant 0 : i32
      %get3A_368 = arith.index_cast %get3A_367 : i32 to index
      %get3A_369 = arith.index_cast %scan3A_331 : i32 to index
      %get3A_370 = arith.constant 80 : index
      %get3A_371 = tpu.vector_load %arg6[%get3A_368, %get3A_369, %get3A_370] {strides = array<i32>} : memref<3x200x128xf32, #tpu.memory_space<vmem>>, vector<1x1x16xf32>,
      %get3A_372 = vector.shape_cast %get3A_371 : vector<1x1x16xf32> to vector<16xf32>
      %add3A_373 = arith.addf %add3A_315, %get3A_372 : vector<16xf32>
      %get3A_374 = arith.constant 0 : i32
      %get3A_375 = arith.index_cast %get3A_374 : i32 to index
      %get3A_376 = arith.index_cast %scan3A_331 : i32 to index
      %get3A_377 = arith.constant 96 : index
      %get3A_378 = tpu.vector_load %arg6[%get3A_375, %get3A_376, %get3A_377] {strides = array<i32>} : memref<3x200x128xf32, #tpu.memory_space<vmem>>, vector<1x1x16xf32>,
      %get3A_379 = vector.shape_cast %get3A_378 : vector<1x1x16xf32> to vector<16xf32>
      %add3A_380 = arith.addf %add3A_322, %get3A_379 : vector<16xf32>
      %get3A_381 = arith.constant 0 : i32
      %get3A_382 = arith.index_cast %get3A_381 : i32 to index
      %get3A_383 = arith.index_cast %scan3A_331 : i32 to index
      %get3A_384 = arith.constant 112 : index
      %get3A_385 = tpu.vector_load %arg6[%get3A_382, %get3A_383, %get3A_384] {strides = array<i32>} : memref<3x200x128xf32, #tpu.memory_space<vmem>>, vector<1x1x16xf32>,
      %get3A_386 = vector.shape_cast %get3A_385 : vector<1x1x16xf32> to vector<16xf32>
      %add3A_387 = arith.addf %add3A_329, %get3A_386 : vector<16xf32>
      %scan3A_388 = arith.constant 2 : i32
      %scan3A_389 = arith.addi %scan3A_266, %scan3A_388 : i32
      %get3A_390 = arith.constant 0 : i32
      %get3A_391 = arith.index_cast %get3A_390 : i32 to index
      %get3A_392 = arith.index_cast %scan3A_389 : i32 to index
      %get3A_393 = arith.constant 0 : index
      %get3A_394 = tpu.vector_load %arg6[%get3A_391, %get3A_392, %get3A_393] {strides = array<i32>} : memref<3x200x128xf32, #tpu.memory_space<vmem>>, vector<1x1x16xf32>,
      %get3A_395 = vector.shape_cast %get3A_394 : vector<1x1x16xf32> to vector<16xf32>
      %add3A_396 = arith.addf %add3A_338, %get3A_395 : vector<16xf32>
      %get3A_397 = arith.constant 0 : i32
      %get3A_398 = arith.index_cast %get3A_397 : i32 to index
      %get3A_399 = arith.index_cast %scan3A_389 : i32 to index
      %get3A_400 = arith.constant 16 : index
      %get3A_401 = tpu.vector_load %arg6[%get3A_398, %get3A_399, %get3A_400] {strides = array<i32>} : memref<3x200x128xf32, #tpu.memory_space<vmem>>, vector<1x1x16xf32>,
      %get3A_402 = vector.shape_cast %get3A_401 : vector<1x1x16xf32> to vector<16xf32>
      %add3A_403 = arith.addf %add3A_345, %get3A_402 : vector<16xf32>
      %get3A_404 = arith.constant 0 : i32
      %get3A_405 = arith.index_cast %get3A_404 : i32 to index
      %get3A_406 = arith.index_cast %scan3A_389 : i32 to index
      %get3A_407 = arith.constant 32 : index
      %get3A_408 = tpu.vector_load %arg6[%get3A_405, %get3A_406, %get3A_407] {strides = array<i32>} : memref<3x200x128xf32, #tpu.memory_space<vmem>>, vector<1x1x16xf32>,
      %get3A_409 = vector.shape_cast %get3A_408 : vector<1x1x16xf32> to vector<16xf32>
      %add3A_410 = arith.addf %add3A_352, %get3A_409 : vector<16xf32>
      %get3A_411 = arith.constant 0 : i32
      %get3A_412 = arith.index_cast %get3A_411 : i32 to index
      %get3A_413 = arith.index_cast %scan3A_389 : i32 to index
      %get3A_414 = arith.constant 48 : index
      %get3A_415 = tpu.vector_load %arg6[%get3A_412, %get3A_413, %get3A_414] {strides = array<i32>} : memref<3x200x128xf32, #tpu.memory_space<vmem>>, vector<1x1x16xf32>,
      %get3A_416 = vector.shape_cast %get3A_415 : vector<1x1x16xf32> to vector<16xf32>
      %add3A_417 = arith.addf %add3A_359, %get3A_416 : vector<16xf32>
      %get3A_418 = arith.constant 0 : i32
      %get3A_419 = arith.index_cast %get3A_418 : i32 to index
      %get3A_420 = arith.index_cast %scan3A_389 : i32 to index
      %get3A_421 = arith.constant 64 : index
      %get3A_422 = tpu.vector_load %arg6[%get3A_419, %get3A_420, %get3A_421] {strides = array<i32>} : memref<3x200x128xf32, #tpu.memory_space<vmem>>, vector<1x1x16xf32>,
      %get3A_423 = vector.shape_cast %get3A_422 : vector<1x1x16xf32> to vector<16xf32>
      %add3A_424 = arith.addf %add3A_366, %get3A_423 : vector<16xf32>
      %get3A_425 = arith.constant 0 : i32
      %get3A_426 = arith.index_cast %get3A_425 : i32 to index
      %get3A_427 = arith.index_cast %scan3A_389 : i32 to index
      %get3A_428 = arith.constant 80 : index
      %get3A_429 = tpu.vector_load %arg6[%get3A_426, %get3A_427, %get3A_428] {strides = array<i32>} : memref<3x200x128xf32, #tpu.memory_space<vmem>>, vector<1x1x16xf32>,
      %get3A_430 = vector.shape_cast %get3A_429 : vector<1x1x16xf32> to vector<16xf32>
      %add3A_431 = arith.addf %add3A_373, %get3A_430 : vector<16xf32>
      %get3A_432 = arith.constant 0 : i32
      %get3A_433 = arith.index_cast %get3A_432 : i32 to index
      %get3A_434 = arith.index_cast %scan3A_389 : i32 to index
      %get3A_435 = arith.constant 96 : index
      %get3A_436 = tpu.vector_load %arg6[%get3A_433, %get3A_434, %get3A_435] {strides = array<i32>} : memref<3x200x128xf32, #tpu.memory_space<vmem>>, vector<1x1x16xf32>,
      %get3A_437 = vector.shape_cast %get3A_436 : vector<1x1x16xf32> to vector<16xf32>
      %add3A_438 = arith.addf %add3A_380, %get3A_437 : vector<16xf32>
      %get3A_439 = arith.constant 0 : i32
      %get3A_440 = arith.index_cast %get3A_439 : i32 to index
      %get3A_441 = arith.index_cast %scan3A_389 : i32 to index
      %get3A_442 = arith.constant 112 : index
      %get3A_443 = tpu.vector_load %arg6[%get3A_440, %get3A_441, %get3A_442] {strides = array<i32>} : memref<3x200x128xf32, #tpu.memory_space<vmem>>, vector<1x1x16xf32>,
      %get3A_444 = vector.shape_cast %get3A_443 : vector<1x1x16xf32> to vector<16xf32>
      %add3A_445 = arith.addf %add3A_387, %get3A_444 : vector<16xf32>
      %scan3A_446 = arith.constant 3 : i32
      %scan3A_447 = arith.addi %scan3A_266, %scan3A_446 : i32
      %get3A_448 = arith.constant 0 : i32
      %get3A_449 = arith.index_cast %get3A_448 : i32 to index
      %get3A_450 = arith.index_cast %scan3A_447 : i32 to index
      %get3A_451 = arith.constant 0 : index
      %get3A_452 = tpu.vector_load %arg6[%get3A_449, %get3A_450, %get3A_451] {strides = array<i32>} : memref<3x200x128xf32, #tpu.memory_space<vmem>>, vector<1x1x16xf32>,
      %get3A_453 = vector.shape_cast %get3A_452 : vector<1x1x16xf32> to vector<16xf32>
      %add3A_454 = arith.addf %add3A_396, %get3A_453 : vector<16xf32>
      %get3A_455 = arith.constant 0 : i32
      %get3A_456 = arith.index_cast %get3A_455 : i32 to index
      %get3A_457 = arith.index_cast %scan3A_447 : i32 to index
      %get3A_458 = arith.constant 16 : index
      %get3A_459 = tpu.vector_load %arg6[%get3A_456, %get3A_457, %get3A_458] {strides = array<i32>} : memref<3x200x128xf32, #tpu.memory_space<vmem>>, vector<1x1x16xf32>,
      %get3A_460 = vector.shape_cast %get3A_459 : vector<1x1x16xf32> to vector<16xf32>
      %add3A_461 = arith.addf %add3A_403, %get3A_460 : vector<16xf32>
      %get3A_462 = arith.constant 0 : i32
      %get3A_463 = arith.index_cast %get3A_462 : i32 to index
      %get3A_464 = arith.index_cast %scan3A_447 : i32 to index
      %get3A_465 = arith.constant 32 : index
      %get3A_466 = tpu.vector_load %arg6[%get3A_463, %get3A_464, %get3A_465] {strides = array<i32>} : memref<3x200x128xf32, #tpu.memory_space<vmem>>, vector<1x1x16xf32>,
      %get3A_467 = vector.shape_cast %get3A_466 : vector<1x1x16xf32> to vector<16xf32>
      %add3A_468 = arith.addf %add3A_410, %get3A_467 : vector<16xf32>
      %get3A_469 = arith.constant 0 : i32
      %get3A_470 = arith.index_cast %get3A_469 : i32 to index
      %get3A_471 = arith.index_cast %scan3A_447 : i32 to index
      %get3A_472 = arith.constant 48 : index
      %get3A_473 = tpu.vector_load %arg6[%get3A_470, %get3A_471, %get3A_472] {strides = array<i32>} : memref<3x200x128xf32, #tpu.memory_space<vmem>>, vector<1x1x16xf32>,
      %get3A_474 = vector.shape_cast %get3A_473 : vector<1x1x16xf32> to vector<16xf32>
      %add3A_475 = arith.addf %add3A_417, %get3A_474 : vector<16xf32>
      %get3A_476 = arith.constant 0 : i32
      %get3A_477 = arith.index_cast %get3A_476 : i32 to index
      %get3A_478 = arith.index_cast %scan3A_447 : i32 to index
      %get3A_479 = arith.constant 64 : index
      %get3A_480 = tpu.vector_load %arg6[%get3A_477, %get3A_478, %get3A_479] {strides = array<i32>} : memref<3x200x128xf32, #tpu.memory_space<vmem>>, vector<1x1x16xf32>,
      %get3A_481 = vector.shape_cast %get3A_480 : vector<1x1x16xf32> to vector<16xf32>
      %add3A_482 = arith.addf %add3A_424, %get3A_481 : vector<16xf32>
      %get3A_483 = arith.constant 0 : i32
      %get3A_484 = arith.index_cast %get3A_483 : i32 to index
      %get3A_485 = arith.index_cast %scan3A_447 : i32 to index
      %get3A_486 = arith.constant 80 : index
      %get3A_487 = tpu.vector_load %arg6[%get3A_484, %get3A_485, %get3A_486] {strides = array<i32>} : memref<3x200x128xf32, #tpu.memory_space<vmem>>, vector<1x1x16xf32>,
      %get3A_488 = vector.shape_cast %get3A_487 : vector<1x1x16xf32> to vector<16xf32>
      %add3A_489 = arith.addf %add3A_431, %get3A_488 : vector<16xf32>
      %get3A_490 = arith.constant 0 : i32
      %get3A_491 = arith.index_cast %get3A_490 : i32 to index
      %get3A_492 = arith.index_cast %scan3A_447 : i32 to index
      %get3A_493 = arith.constant 96 : index
      %get3A_494 = tpu.vector_load %arg6[%get3A_491, %get3A_492, %get3A_493] {strides = array<i32>} : memref<3x200x128xf32, #tpu.memory_space<vmem>>, vector<1x1x16xf32>,
      %get3A_495 = vector.shape_cast %get3A_494 : vector<1x1x16xf32> to vector<16xf32>
      %add3A_496 = arith.addf %add3A_438, %get3A_495 : vector<16xf32>
      %get3A_497 = arith.constant 0 : i32
      %get3A_498 = arith.index_cast %get3A_497 : i32 to index
      %get3A_499 = arith.index_cast %scan3A_447 : i32 to index
      %get3A_500 = arith.constant 112 : index
      %get3A_501 = tpu.vector_load %arg6[%get3A_498, %get3A_499, %get3A_500] {strides = array<i32>} : memref<3x200x128xf32, #tpu.memory_space<vmem>>, vector<1x1x16xf32>,
      %get3A_502 = vector.shape_cast %get3A_501 : vector<1x1x16xf32> to vector<16xf32>
      %add3A_503 = arith.addf %add3A_445, %get3A_502 : vector<16xf32>
      scf.yield %add3A_454, %add3A_461, %add3A_468, %add3A_475, %add3A_482, %add3A_489, %add3A_496, %add3A_503 : vector<16xf32>, vector<16xf32>, vector<16xf32>, vector<16xf32>, vector<16xf32>, vector<16xf32>, vector<16xf32>, vector<16xf32>
    }
    %scan3A_131 = arith.constant 200 : i32
    %swap3A = arith.constant 126 : i32
    %swap3A_132 = arith.index_cast %swap3A : i32 to index
    %swap3A_133 = arith.constant 0 : index
    %swap3A_134 = tpu.vector_load %arg7[%swap3A_132, %swap3A_133] {strides = array<i32>} : memref<128x128xf32, #tpu.memory_space<vmem>>, vector<1x16xf32>,
    %swap3A_135 = vector.shape_cast %swap3A_134 : vector<1x16xf32> to vector<16xf32>
    %swap3A_136 = vector.shape_cast %scan3A_130#0 : vector<16xf32> to vector<1x16xf32>
    tpu.vector_store %arg7[%swap3A_132, %swap3A_133], %swap3A_136 {strides = array<i32>} : memref<128x128xf32, #tpu.memory_space<vmem>>, vector<1x16xf32>,
    %swap3A_137 = arith.constant 126 : i32
    %swap3A_138 = arith.index_cast %swap3A_137 : i32 to index
    %swap3A_139 = arith.constant 16 : index
    %swap3A_140 = tpu.vector_load %arg7[%swap3A_138, %swap3A_139] {strides = array<i32>} : memref<128x128xf32, #tpu.memory_space<vmem>>, vector<1x16xf32>,
    %swap3A_141 = vector.shape_cast %swap3A_140 : vector<1x16xf32> to vector<16xf32>
    %swap3A_142 = vector.shape_cast %scan3A_130#1 : vector<16xf32> to vector<1x16xf32>
    tpu.vector_store %arg7[%swap3A_138, %swap3A_139], %swap3A_142 {strides = array<i32>} : memref<128x128xf32, #tpu.memory_space<vmem>>, vector<1x16xf32>,
    %swap3A_143 = arith.constant 126 : i32
    %swap3A_144 = arith.index_cast %swap3A_143 : i32 to index
    %swap3A_145 = arith.constant 32 : index
    %swap3A_146 = tpu.vector_load %arg7[%swap3A_144, %swap3A_145] {strides = array<i32>} : memref<128x128xf32, #tpu.memory_space<vmem>>, vector<1x16xf32>,
    %swap3A_147 = vector.shape_cast %swap3A_146 : vector<1x16xf32> to vector<16xf32>
    %swap3A_148 = vector.shape_cast %scan3A_130#2 : vector<16xf32> to vector<1x16xf32>
    tpu.vector_store %arg7[%swap3A_144, %swap3A_145], %swap3A_148 {strides = array<i32>} : memref<128x128xf32, #tpu.memory_space<vmem>>, vector<1x16xf32>,
    %swap3A_149 = arith.constant 126 : i32
    %swap3A_150 = arith.index_cast %swap3A_149 : i32 to index
    %swap3A_151 = arith.constant 48 : index
    %swap3A_152 = tpu.vector_load %arg7[%swap3A_150, %swap3A_151] {strides = array<i32>} : memref<128x128xf32, #tpu.memory_space<vmem>>, vector<1x16xf32>,
    %swap3A_153 = vector.shape_cast %swap3A_152 : vector<1x16xf32> to vector<16xf32>
    %swap3A_154 = vector.shape_cast %scan3A_130#3 : vector<16xf32> to vector<1x16xf32>
    tpu.vector_store %arg7[%swap3A_150, %swap3A_151], %swap3A_154 {strides = array<i32>} : memref<128x128xf32, #tpu.memory_space<vmem>>, vector<1x16xf32>,
    %swap3A_155 = arith.constant 126 : i32
    %swap3A_156 = arith.index_cast %swap3A_155 : i32 to index
    %swap3A_157 = arith.constant 64 : index
    %swap3A_158 = tpu.vector_load %arg7[%swap3A_156, %swap3A_157] {strides = array<i32>} : memref<128x128xf32, #tpu.memory_space<vmem>>, vector<1x16xf32>,
    %swap3A_159 = vector.shape_cast %swap3A_158 : vector<1x16xf32> to vector<16xf32>
    %swap3A_160 = vector.shape_cast %scan3A_130#4 : vector<16xf32> to vector<1x16xf32>
    tpu.vector_store %arg7[%swap3A_156, %swap3A_157], %swap3A_160 {strides = array<i32>} : memref<128x128xf32, #tpu.memory_space<vmem>>, vector<1x16xf32>,
    %swap3A_161 = arith.constant 126 : i32
    %swap3A_162 = arith.index_cast %swap3A_161 : i32 to index
    %swap3A_163 = arith.constant 80 : index
    %swap3A_164 = tpu.vector_load %arg7[%swap3A_162, %swap3A_163] {strides = array<i32>} : memref<128x128xf32, #tpu.memory_space<vmem>>, vector<1x16xf32>,
    %swap3A_165 = vector.shape_cast %swap3A_164 : vector<1x16xf32> to vector<16xf32>
    %swap3A_166 = vector.shape_cast %scan3A_130#5 : vector<16xf32> to vector<1x16xf32>
    tpu.vector_store %arg7[%swap3A_162, %swap3A_163], %swap3A_166 {strides = array<i32>} : memref<128x128xf32, #tpu.memory_space<vmem>>, vector<1x16xf32>,
    %swap3A_167 = arith.constant 126 : i32
    %swap3A_168 = arith.index_cast %swap3A_167 : i32 to index
    %swap3A_169 = arith.constant 96 : index
    %swap3A_170 = tpu.vector_load %arg7[%swap3A_168, %swap3A_169] {strides = array<i32>} : memref<128x128xf32, #tpu.memory_space<vmem>>, vector<1x16xf32>,
    %swap3A_171 = vector.shape_cast %swap3A_170 : vector<1x16xf32> to vector<16xf32>
    %swap3A_172 = vector.shape_cast %scan3A_130#6 : vector<16xf32> to vector<1x16xf32>
    tpu.vector_store %arg7[%swap3A_168, %swap3A_169], %swap3A_172 {strides = array<i32>} : memref<128x128xf32, #tpu.memory_space<vmem>>, vector<1x16xf32>,
    %swap3A_173 = arith.constant 126 : i32
    %swap3A_174 = arith.index_cast %swap3A_173 : i32 to index
    %swap3A_175 = arith.constant 112 : index
    %swap3A_176 = tpu.vector_load %arg7[%swap3A_174, %swap3A_175] {strides = array<i32>} : memref<128x128xf32, #tpu.memory_space<vmem>>, vector<1x16xf32>,
    %swap3A_177 = vector.shape_cast %swap3A_176 : vector<1x16xf32> to vector<16xf32>
    %swap3A_178 = vector.shape_cast %scan3A_130#7 : vector<16xf32> to vector<1x16xf32>
    tpu.vector_store %arg7[%swap3A_174, %swap3A_175], %swap3A_178 {strides = array<i32>} : memref<128x128xf32, #tpu.memory_space<vmem>>, vector<1x16xf32>,
    %dma_wait3A_179 = arith.constant 1 : i32
    %dma_wait3A_180 = arith.constant 0 : i32
    %dma_wait3A_181 = arith.constant 0 : i32
    %dma_wait3A_182 = tpu.memref_slice %arg6[%dma_wait3A_179, %dma_wait3A_180, %dma_wait3A_181] : memref<3x200x128xf32, #tpu.memory_space<vmem>> -> memref<1x200x128xf32, #tpu.memory_space<vmem>>
    %dma_wait3A_183 = tpu.memref_squeeze %dma_wait3A_182 : memref<1x200x128xf32, #tpu.memory_space<vmem>> -> memref<200x128xf32, #tpu.memory_space<vmem>>
    %dma_wait3A_184 = arith.constant 0 : i32
    %dma_wait3A_185 = arith.constant 0 : i32
    %dma_wait3A_186 = tpu.memref_slice %arg3[%dma_wait3A_184, %dma_wait3A_185] : memref<100000x128xf32, #tpu.memory_space<hbm>> -> memref<200x128xf32, #tpu.memory_space<hbm>>
    %dma_wait3A_187 = arith.constant 0 : i32
    %dma_wait3A_188 = arith.constant 0 : i32
    %dma_wait3A_189 = tpu.memref_slice %arg6[%dma_wait3A_179, %dma_wait3A_187, %dma_wait3A_188] : memref<3x200x128xf32, #tpu.memory_space<vmem>> -> memref<1x200x128xf32, #tpu.memory_space<vmem>>
    %dma_wait3A_190 = tpu.memref_squeeze %dma_wait3A_189 : memref<1x200x128xf32, #tpu.memory_space<vmem>> -> memref<200x128xf32, #tpu.memory_space<vmem>>
    %dma_wait3A_191 = arith.constant 0 : i32
    %dma_wait3A_192 = arith.constant 0 : i32
    %dma_wait3A_193 = tpu.memref_slice %arg3[%dma_wait3A_191, %dma_wait3A_192] : memref<100000x128xf32, #tpu.memory_space<hbm>> -> memref<200x128xf32, #tpu.memory_space<hbm>>
    tpu.wait_dma2 semaphore(%arg9 : memref<!tpu.dma_semaphore, #tpu.memory_space<semaphore_mem>>) src(%dma_wait3A_193 : memref<200x128xf32, #tpu.memory_space<hbm>>) dst(%dma_wait3A_190 : memref<200x128xf32, #tpu.memory_space<vmem>>)
    %broadcast_in_dim3A_194 = arith.constant 0.000000e+00 : f32
    %broadcast_in_dim3A_195 = vector.broadcast %broadcast_in_dim3A_194 : f32 to vector<16xf32>
    %broadcast_in_dim3A_196 = arith.constant 0.000000e+00 : f32
    %broadcast_in_dim3A_197 = vector.broadcast %broadcast_in_dim3A_196 : f32 to vector<16xf32>
    %broadcast_in_dim3A_198 = arith.constant 0.000000e+00 : f32
    %broadcast_in_dim3A_199 = vector.broadcast %broadcast_in_dim3A_198 : f32 to vector<16xf32>
    %broadcast_in_dim3A_200 = arith.constant 0.000000e+00 : f32
    %broadcast_in_dim3A_201 = vector.broadcast %broadcast_in_dim3A_200 : f32 to vector<16xf32>
    %broadcast_in_dim3A_202 = arith.constant 0.000000e+00 : f32
    %broadcast_in_dim3A_203 = vector.broadcast %broadcast_in_dim3A_202 : f32 to vector<16xf32>
    %broadcast_in_dim3A_204 = arith.constant 0.000000e+00 : f32
    %broadcast_in_dim3A_205 = vector.broadcast %broadcast_in_dim3A_204 : f32 to vector<16xf32>
    %broadcast_in_dim3A_206 = arith.constant 0.000000e+00 : f32
    %broadcast_in_dim3A_207 = vector.broadcast %broadcast_in_dim3A_206 : f32 to vector<16xf32>
    %broadcast_in_dim3A_208 = arith.constant 0.000000e+00 : f32
    %broadcast_in_dim3A_209 = vector.broadcast %broadcast_in_dim3A_208 : f32 to vector<16xf32>
    %scan3A_210 = arith.constant 0 : i32
    %scan3A_211 = arith.constant 200 : i32
    %scan3A_212 = arith.addi %scan3A_210, %scan3A_211 : i32
    %scan3A_213 = arith.constant 4 : i32
    %scan3A_214:8 = scf.for %scan3A_266 = %scan3A_210 to %scan3A_212 step %scan3A_213 iter_args(%scan3A_267 = %broadcast_in_dim3A_195, %scan3A_268 = %broadcast_in_dim3A_197, %scan3A_269 = %broadcast_in_dim3A_199, %scan3A_270 = %broadcast_in_dim3A_201, %scan3A_271 = %broadcast_in_dim3A_203, %scan3A_272 = %broadcast_in_dim3A_205, %scan3A_273 = %broadcast_in_dim3A_207, %scan3A_274 = %broadcast_in_dim3A_209) -> (vector<16xf32>, vector<16xf32>, vector<16xf32>, vector<16xf32>, vector<16xf32>, vector<16xf32>, vector<16xf32>, vector<16xf32>)  : i32 {
      %get3A = arith.constant 1 : i32
      %get3A_275 = arith.index_cast %get3A : i32 to index
      %get3A_276 = arith.index_cast %scan3A_266 : i32 to index
      %get3A_277 = arith.constant 0 : index
      %get3A_278 = tpu.vector_load %arg6[%get3A_275, %get3A_276, %get3A_277] {strides = array<i32>} : memref<3x200x128xf32, #tpu.memory_space<vmem>>, vector<1x1x16xf32>,
      %get3A_279 = vector.shape_cast %get3A_278 : vector<1x1x16xf32> to vector<16xf32>
      %add3A_280 = arith.addf %scan3A_267, %get3A_279 : vector<16xf32>
      %get3A_281 = arith.constant 1 : i32
      %get3A_282 = arith.index_cast %get3A_281 : i32 to index
      %get3A_283 = arith.index_cast %scan3A_266 : i32 to index
      %get3A_284 = arith.constant 16 : index
      %get3A_285 = tpu.vector_load %arg6[%get3A_282, %get3A_283, %get3A_284] {strides = array<i32>} : memref<3x200x128xf32, #tpu.memory_space<vmem>>, vector<1x1x16xf32>,
      %get3A_286 = vector.shape_cast %get3A_285 : vector<1x1x16xf32> to vector<16xf32>
      %add3A_287 = arith.addf %scan3A_268, %get3A_286 : vector<16xf32>
      %get3A_288 = arith.constant 1 : i32
      %get3A_289 = arith.index_cast %get3A_288 : i32 to index
      %get3A_290 = arith.index_cast %scan3A_266 : i32 to index
      %get3A_291 = arith.constant 32 : index
      %get3A_292 = tpu.vector_load %arg6[%get3A_289, %get3A_290, %get3A_291] {strides = array<i32>} : memref<3x200x128xf32, #tpu.memory_space<vmem>>, vector<1x1x16xf32>,
      %get3A_293 = vector.shape_cast %get3A_292 : vector<1x1x16xf32> to vector<16xf32>
      %add3A_294 = arith.addf %scan3A_269, %get3A_293 : vector<16xf32>
      %get3A_295 = arith.constant 1 : i32
      %get3A_296 = arith.index_cast %get3A_295 : i32 to index
      %get3A_297 = arith.index_cast %scan3A_266 : i32 to index
      %get3A_298 = arith.constant 48 : index
      %get3A_299 = tpu.vector_load %arg6[%get3A_296, %get3A_297, %get3A_298] {strides = array<i32>} : memref<3x200x128xf32, #tpu.memory_space<vmem>>, vector<1x1x16xf32>,
      %get3A_300 = vector.shape_cast %get3A_299 : vector<1x1x16xf32> to vector<16xf32>
      %add3A_301 = arith.addf %scan3A_270, %get3A_300 : vector<16xf32>
      %get3A_302 = arith.constant 1 : i32
      %get3A_303 = arith.index_cast %get3A_302 : i32 to index
      %get3A_304 = arith.index_cast %scan3A_266 : i32 to index
      %get3A_305 = arith.constant 64 : index
      %get3A_306 = tpu.vector_load %arg6[%get3A_303, %get3A_304, %get3A_305] {strides = array<i32>} : memref<3x200x128xf32, #tpu.memory_space<vmem>>, vector<1x1x16xf32>,
      %get3A_307 = vector.shape_cast %get3A_306 : vector<1x1x16xf32> to vector<16xf32>
      %add3A_308 = arith.addf %scan3A_271, %get3A_307 : vector<16xf32>
      %get3A_309 = arith.constant 1 : i32
      %get3A_310 = arith.index_cast %get3A_309 : i32 to index
      %get3A_311 = arith.index_cast %scan3A_266 : i32 to index
      %get3A_312 = arith.constant 80 : index
      %get3A_313 = tpu.vector_load %arg6[%get3A_310, %get3A_311, %get3A_312] {strides = array<i32>} : memref<3x200x128xf32, #tpu.memory_space<vmem>>, vector<1x1x16xf32>,
      %get3A_314 = vector.shape_cast %get3A_313 : vector<1x1x16xf32> to vector<16xf32>
      %add3A_315 = arith.addf %scan3A_272, %get3A_314 : vector<16xf32>
      %get3A_316 = arith.constant 1 : i32
      %get3A_317 = arith.index_cast %get3A_316 : i32 to index
      %get3A_318 = arith.index_cast %scan3A_266 : i32 to index
      %get3A_319 = arith.constant 96 : index
      %get3A_320 = tpu.vector_load %arg6[%get3A_317, %get3A_318, %get3A_319] {strides = array<i32>} : memref<3x200x128xf32, #tpu.memory_space<vmem>>, vector<1x1x16xf32>,
      %get3A_321 = vector.shape_cast %get3A_320 : vector<1x1x16xf32> to vector<16xf32>
      %add3A_322 = arith.addf %scan3A_273, %get3A_321 : vector<16xf32>
      %get3A_323 = arith.constant 1 : i32
      %get3A_324 = arith.index_cast %get3A_323 : i32 to index
      %get3A_325 = arith.index_cast %scan3A_266 : i32 to index
      %get3A_326 = arith.constant 112 : index
      %get3A_327 = tpu.vector_load %arg6[%get3A_324, %get3A_325, %get3A_326] {strides = array<i32>} : memref<3x200x128xf32, #tpu.memory_space<vmem>>, vector<1x1x16xf32>,
      %get3A_328 = vector.shape_cast %get3A_327 : vector<1x1x16xf32> to vector<16xf32>
      %add3A_329 = arith.addf %scan3A_274, %get3A_328 : vector<16xf32>
      %scan3A_330 = arith.constant 1 : i32
      %scan3A_331 = arith.addi %scan3A_266, %scan3A_330 : i32
      %get3A_332 = arith.constant 1 : i32
      %get3A_333 = arith.index_cast %get3A_332 : i32 to index
      %get3A_334 = arith.index_cast %scan3A_331 : i32 to index
      %get3A_335 = arith.constant 0 : index
      %get3A_336 = tpu.vector_load %arg6[%get3A_333, %get3A_334, %get3A_335] {strides = array<i32>} : memref<3x200x128xf32, #tpu.memory_space<vmem>>, vector<1x1x16xf32>,
      %get3A_337 = vector.shape_cast %get3A_336 : vector<1x1x16xf32> to vector<16xf32>
      %add3A_338 = arith.addf %add3A_280, %get3A_337 : vector<16xf32>
      %get3A_339 = arith.constant 1 : i32
      %get3A_340 = arith.index_cast %get3A_339 : i32 to index
      %get3A_341 = arith.index_cast %scan3A_331 : i32 to index
      %get3A_342 = arith.constant 16 : index
      %get3A_343 = tpu.vector_load %arg6[%get3A_340, %get3A_341, %get3A_342] {strides = array<i32>} : memref<3x200x128xf32, #tpu.memory_space<vmem>>, vector<1x1x16xf32>,
      %get3A_344 = vector.shape_cast %get3A_343 : vector<1x1x16xf32> to vector<16xf32>
      %add3A_345 = arith.addf %add3A_287, %get3A_344 : vector<16xf32>
      %get3A_346 = arith.constant 1 : i32
      %get3A_347 = arith.index_cast %get3A_346 : i32 to index
      %get3A_348 = arith.index_cast %scan3A_331 : i32 to index
      %get3A_349 = arith.constant 32 : index
      %get3A_350 = tpu.vector_load %arg6[%get3A_347, %get3A_348, %get3A_349] {strides = array<i32>} : memref<3x200x128xf32, #tpu.memory_space<vmem>>, vector<1x1x16xf32>,
      %get3A_351 = vector.shape_cast %get3A_350 : vector<1x1x16xf32> to vector<16xf32>
      %add3A_352 = arith.addf %add3A_294, %get3A_351 : vector<16xf32>
      %get3A_353 = arith.constant 1 : i32
      %get3A_354 = arith.index_cast %get3A_353 : i32 to index
      %get3A_355 = arith.index_cast %scan3A_331 : i32 to index
      %get3A_356 = arith.constant 48 : index
      %get3A_357 = tpu.vector_load %arg6[%get3A_354, %get3A_355, %get3A_356] {strides = array<i32>} : memref<3x200x128xf32, #tpu.memory_space<vmem>>, vector<1x1x16xf32>,
      %get3A_358 = vector.shape_cast %get3A_357 : vector<1x1x16xf32> to vector<16xf32>
      %add3A_359 = arith.addf %add3A_301, %get3A_358 : vector<16xf32>
      %get3A_360 = arith.constant 1 : i32
      %get3A_361 = arith.index_cast %get3A_360 : i32 to index
      %get3A_362 = arith.index_cast %scan3A_331 : i32 to index
      %get3A_363 = arith.constant 64 : index
      %get3A_364 = tpu.vector_load %arg6[%get3A_361, %get3A_362, %get3A_363] {strides = array<i32>} : memref<3x200x128xf32, #tpu.memory_space<vmem>>, vector<1x1x16xf32>,
      %get3A_365 = vector.shape_cast %get3A_364 : vector<1x1x16xf32> to vector<16xf32>
      %add3A_366 = arith.addf %add3A_308, %get3A_365 : vector<16xf32>
      %get3A_367 = arith.constant 1 : i32
      %get3A_368 = arith.index_cast %get3A_367 : i32 to index
      %get3A_369 = arith.index_cast %scan3A_331 : i32 to index
      %get3A_370 = arith.constant 80 : index
      %get3A_371 = tpu.vector_load %arg6[%get3A_368, %get3A_369, %get3A_370] {strides = array<i32>} : memref<3x200x128xf32, #tpu.memory_space<vmem>>, vector<1x1x16xf32>,
      %get3A_372 = vector.shape_cast %get3A_371 : vector<1x1x16xf32> to vector<16xf32>
      %add3A_373 = arith.addf %add3A_315, %get3A_372 : vector<16xf32>
      %get3A_374 = arith.constant 1 : i32
      %get3A_375 = arith.index_cast %get3A_374 : i32 to index
      %get3A_376 = arith.index_cast %scan3A_331 : i32 to index
      %get3A_377 = arith.constant 96 : index
      %get3A_378 = tpu.vector_load %arg6[%get3A_375, %get3A_376, %get3A_377] {strides = array<i32>} : memref<3x200x128xf32, #tpu.memory_space<vmem>>, vector<1x1x16xf32>,
      %get3A_379 = vector.shape_cast %get3A_378 : vector<1x1x16xf32> to vector<16xf32>
      %add3A_380 = arith.addf %add3A_322, %get3A_379 : vector<16xf32>
      %get3A_381 = arith.constant 1 : i32
      %get3A_382 = arith.index_cast %get3A_381 : i32 to index
      %get3A_383 = arith.index_cast %scan3A_331 : i32 to index
      %get3A_384 = arith.constant 112 : index
      %get3A_385 = tpu.vector_load %arg6[%get3A_382, %get3A_383, %get3A_384] {strides = array<i32>} : memref<3x200x128xf32, #tpu.memory_space<vmem>>, vector<1x1x16xf32>,
      %get3A_386 = vector.shape_cast %get3A_385 : vector<1x1x16xf32> to vector<16xf32>
      %add3A_387 = arith.addf %add3A_329, %get3A_386 : vector<16xf32>
      %scan3A_388 = arith.constant 2 : i32
      %scan3A_389 = arith.addi %scan3A_266, %scan3A_388 : i32
      %get3A_390 = arith.constant 1 : i32
      %get3A_391 = arith.index_cast %get3A_390 : i32 to index
      %get3A_392 = arith.index_cast %scan3A_389 : i32 to index
      %get3A_393 = arith.constant 0 : index
      %get3A_394 = tpu.vector_load %arg6[%get3A_391, %get3A_392, %get3A_393] {strides = array<i32>} : memref<3x200x128xf32, #tpu.memory_space<vmem>>, vector<1x1x16xf32>,
      %get3A_395 = vector.shape_cast %get3A_394 : vector<1x1x16xf32> to vector<16xf32>
      %add3A_396 = arith.addf %add3A_338, %get3A_395 : vector<16xf32>
      %get3A_397 = arith.constant 1 : i32
      %get3A_398 = arith.index_cast %get3A_397 : i32 to index
      %get3A_399 = arith.index_cast %scan3A_389 : i32 to index
      %get3A_400 = arith.constant 16 : index
      %get3A_401 = tpu.vector_load %arg6[%get3A_398, %get3A_399, %get3A_400] {strides = array<i32>} : memref<3x200x128xf32, #tpu.memory_space<vmem>>, vector<1x1x16xf32>,
      %get3A_402 = vector.shape_cast %get3A_401 : vector<1x1x16xf32> to vector<16xf32>
      %add3A_403 = arith.addf %add3A_345, %get3A_402 : vector<16xf32>
      %get3A_404 = arith.constant 1 : i32
      %get3A_405 = arith.index_cast %get3A_404 : i32 to index
      %get3A_406 = arith.index_cast %scan3A_389 : i32 to index
      %get3A_407 = arith.constant 32 : index
      %get3A_408 = tpu.vector_load %arg6[%get3A_405, %get3A_406, %get3A_407] {strides = array<i32>} : memref<3x200x128xf32, #tpu.memory_space<vmem>>, vector<1x1x16xf32>,
      %get3A_409 = vector.shape_cast %get3A_408 : vector<1x1x16xf32> to vector<16xf32>
      %add3A_410 = arith.addf %add3A_352, %get3A_409 : vector<16xf32>
      %get3A_411 = arith.constant 1 : i32
      %get3A_412 = arith.index_cast %get3A_411 : i32 to index
      %get3A_413 = arith.index_cast %scan3A_389 : i32 to index
      %get3A_414 = arith.constant 48 : index
      %get3A_415 = tpu.vector_load %arg6[%get3A_412, %get3A_413, %get3A_414] {strides = array<i32>} : memref<3x200x128xf32, #tpu.memory_space<vmem>>, vector<1x1x16xf32>,
      %get3A_416 = vector.shape_cast %get3A_415 : vector<1x1x16xf32> to vector<16xf32>
      %add3A_417 = arith.addf %add3A_359, %get3A_416 : vector<16xf32>
      %get3A_418 = arith.constant 1 : i32
      %get3A_419 = arith.index_cast %get3A_418 : i32 to index
      %get3A_420 = arith.index_cast %scan3A_389 : i32 to index
      %get3A_421 = arith.constant 64 : index
      %get3A_422 = tpu.vector_load %arg6[%get3A_419, %get3A_420, %get3A_421] {strides = array<i32>} : memref<3x200x128xf32, #tpu.memory_space<vmem>>, vector<1x1x16xf32>,
      %get3A_423 = vector.shape_cast %get3A_422 : vector<1x1x16xf32> to vector<16xf32>
      %add3A_424 = arith.addf %add3A_366, %get3A_423 : vector<16xf32>
      %get3A_425 = arith.constant 1 : i32
      %get3A_426 = arith.index_cast %get3A_425 : i32 to index
      %get3A_427 = arith.index_cast %scan3A_389 : i32 to index
      %get3A_428 = arith.constant 80 : index
      %get3A_429 = tpu.vector_load %arg6[%get3A_426, %get3A_427, %get3A_428] {strides = array<i32>} : memref<3x200x128xf32, #tpu.memory_space<vmem>>, vector<1x1x16xf32>,
      %get3A_430 = vector.shape_cast %get3A_429 : vector<1x1x16xf32> to vector<16xf32>
      %add3A_431 = arith.addf %add3A_373, %get3A_430 : vector<16xf32>
      %get3A_432 = arith.constant 1 : i32
      %get3A_433 = arith.index_cast %get3A_432 : i32 to index
      %get3A_434 = arith.index_cast %scan3A_389 : i32 to index
      %get3A_435 = arith.constant 96 : index
      %get3A_436 = tpu.vector_load %arg6[%get3A_433, %get3A_434, %get3A_435] {strides = array<i32>} : memref<3x200x128xf32, #tpu.memory_space<vmem>>, vector<1x1x16xf32>,
      %get3A_437 = vector.shape_cast %get3A_436 : vector<1x1x16xf32> to vector<16xf32>
      %add3A_438 = arith.addf %add3A_380, %get3A_437 : vector<16xf32>
      %get3A_439 = arith.constant 1 : i32
      %get3A_440 = arith.index_cast %get3A_439 : i32 to index
      %get3A_441 = arith.index_cast %scan3A_389 : i32 to index
      %get3A_442 = arith.constant 112 : index
      %get3A_443 = tpu.vector_load %arg6[%get3A_440, %get3A_441, %get3A_442] {strides = array<i32>} : memref<3x200x128xf32, #tpu.memory_space<vmem>>, vector<1x1x16xf32>,
      %get3A_444 = vector.shape_cast %get3A_443 : vector<1x1x16xf32> to vector<16xf32>
      %add3A_445 = arith.addf %add3A_387, %get3A_444 : vector<16xf32>
      %scan3A_446 = arith.constant 3 : i32
      %scan3A_447 = arith.addi %scan3A_266, %scan3A_446 : i32
      %get3A_448 = arith.constant 1 : i32
      %get3A_449 = arith.index_cast %get3A_448 : i32 to index
      %get3A_450 = arith.index_cast %scan3A_447 : i32 to index
      %get3A_451 = arith.constant 0 : index
      %get3A_452 = tpu.vector_load %arg6[%get3A_449, %get3A_450, %get3A_451] {strides = array<i32>} : memref<3x200x128xf32, #tpu.memory_space<vmem>>, vector<1x1x16xf32>,
      %get3A_453 = vector.shape_cast %get3A_452 : vector<1x1x16xf32> to vector<16xf32>
      %add3A_454 = arith.addf %add3A_396, %get3A_453 : vector<16xf32>
      %get3A_455 = arith.constant 1 : i32
      %get3A_456 = arith.index_cast %get3A_455 : i32 to index
      %get3A_457 = arith.index_cast %scan3A_447 : i32 to index
      %get3A_458 = arith.constant 16 : index
      %get3A_459 = tpu.vector_load %arg6[%get3A_456, %get3A_457, %get3A_458] {strides = array<i32>} : memref<3x200x128xf32, #tpu.memory_space<vmem>>, vector<1x1x16xf32>,
      %get3A_460 = vector.shape_cast %get3A_459 : vector<1x1x16xf32> to vector<16xf32>
      %add3A_461 = arith.addf %add3A_403, %get3A_460 : vector<16xf32>
      %get3A_462 = arith.constant 1 : i32
      %get3A_463 = arith.index_cast %get3A_462 : i32 to index
      %get3A_464 = arith.index_cast %scan3A_447 : i32 to index
      %get3A_465 = arith.constant 32 : index
      %get3A_466 = tpu.vector_load %arg6[%get3A_463, %get3A_464, %get3A_465] {strides = array<i32>} : memref<3x200x128xf32, #tpu.memory_space<vmem>>, vector<1x1x16xf32>,
      %get3A_467 = vector.shape_cast %get3A_466 : vector<1x1x16xf32> to vector<16xf32>
      %add3A_468 = arith.addf %add3A_410, %get3A_467 : vector<16xf32>
      %get3A_469 = arith.constant 1 : i32
      %get3A_470 = arith.index_cast %get3A_469 : i32 to index
      %get3A_471 = arith.index_cast %scan3A_447 : i32 to index
      %get3A_472 = arith.constant 48 : index
      %get3A_473 = tpu.vector_load %arg6[%get3A_470, %get3A_471, %get3A_472] {strides = array<i32>} : memref<3x200x128xf32, #tpu.memory_space<vmem>>, vector<1x1x16xf32>,
      %get3A_474 = vector.shape_cast %get3A_473 : vector<1x1x16xf32> to vector<16xf32>
      %add3A_475 = arith.addf %add3A_417, %get3A_474 : vector<16xf32>
      %get3A_476 = arith.constant 1 : i32
      %get3A_477 = arith.index_cast %get3A_476 : i32 to index
      %get3A_478 = arith.index_cast %scan3A_447 : i32 to index
      %get3A_479 = arith.constant 64 : index
      %get3A_480 = tpu.vector_load %arg6[%get3A_477, %get3A_478, %get3A_479] {strides = array<i32>} : memref<3x200x128xf32, #tpu.memory_space<vmem>>, vector<1x1x16xf32>,
      %get3A_481 = vector.shape_cast %get3A_480 : vector<1x1x16xf32> to vector<16xf32>
      %add3A_482 = arith.addf %add3A_424, %get3A_481 : vector<16xf32>
      %get3A_483 = arith.constant 1 : i32
      %get3A_484 = arith.index_cast %get3A_483 : i32 to index
      %get3A_485 = arith.index_cast %scan3A_447 : i32 to index
      %get3A_486 = arith.constant 80 : index
      %get3A_487 = tpu.vector_load %arg6[%get3A_484, %get3A_485, %get3A_486] {strides = array<i32>} : memref<3x200x128xf32, #tpu.memory_space<vmem>>, vector<1x1x16xf32>,
      %get3A_488 = vector.shape_cast %get3A_487 : vector<1x1x16xf32> to vector<16xf32>
      %add3A_489 = arith.addf %add3A_431, %get3A_488 : vector<16xf32>
      %get3A_490 = arith.constant 1 : i32
      %get3A_491 = arith.index_cast %get3A_490 : i32 to index
      %get3A_492 = arith.index_cast %scan3A_447 : i32 to index
      %get3A_493 = arith.constant 96 : index
      %get3A_494 = tpu.vector_load %arg6[%get3A_491, %get3A_492, %get3A_493] {strides = array<i32>} : memref<3x200x128xf32, #tpu.memory_space<vmem>>, vector<1x1x16xf32>,
      %get3A_495 = vector.shape_cast %get3A_494 : vector<1x1x16xf32> to vector<16xf32>
      %add3A_496 = arith.addf %add3A_438, %get3A_495 : vector<16xf32>
      %get3A_497 = arith.constant 1 : i32
      %get3A_498 = arith.index_cast %get3A_497 : i32 to index
      %get3A_499 = arith.index_cast %scan3A_447 : i32 to index
      %get3A_500 = arith.constant 112 : index
      %get3A_501 = tpu.vector_load %arg6[%get3A_498, %get3A_499, %get3A_500] {strides = array<i32>} : memref<3x200x128xf32, #tpu.memory_space<vmem>>, vector<1x1x16xf32>,
      %get3A_502 = vector.shape_cast %get3A_501 : vector<1x1x16xf32> to vector<16xf32>
      %add3A_503 = arith.addf %add3A_445, %get3A_502 : vector<16xf32>
      scf.yield %add3A_454, %add3A_461, %add3A_468, %add3A_475, %add3A_482, %add3A_489, %add3A_496, %add3A_503 : vector<16xf32>, vector<16xf32>, vector<16xf32>, vector<16xf32>, vector<16xf32>, vector<16xf32>, vector<16xf32>, vector<16xf32>
    }
    %scan3A_215 = arith.constant 200 : i32
    %swap3A_216 = arith.constant 127 : i32
    %swap3A_217 = arith.index_cast %swap3A_216 : i32 to index
    %swap3A_218 = arith.constant 0 : index
    %swap3A_219 = tpu.vector_load %arg7[%swap3A_217, %swap3A_218] {strides = array<i32>} : memref<128x128xf32, #tpu.memory_space<vmem>>, vector<1x16xf32>,
    %swap3A_220 = vector.shape_cast %swap3A_219 : vector<1x16xf32> to vector<16xf32>
    %swap3A_221 = vector.shape_cast %scan3A_214#0 : vector<16xf32> to vector<1x16xf32>
    tpu.vector_store %arg7[%swap3A_217, %swap3A_218], %swap3A_221 {strides = array<i32>} : memref<128x128xf32, #tpu.memory_space<vmem>>, vector<1x16xf32>,
    %swap3A_222 = arith.constant 127 : i32
    %swap3A_223 = arith.index_cast %swap3A_222 : i32 to index
    %swap3A_224 = arith.constant 16 : index
    %swap3A_225 = tpu.vector_load %arg7[%swap3A_223, %swap3A_224] {strides = array<i32>} : memref<128x128xf32, #tpu.memory_space<vmem>>, vector<1x16xf32>,
    %swap3A_226 = vector.shape_cast %swap3A_225 : vector<1x16xf32> to vector<16xf32>
    %swap3A_227 = vector.shape_cast %scan3A_214#1 : vector<16xf32> to vector<1x16xf32>
    tpu.vector_store %arg7[%swap3A_223, %swap3A_224], %swap3A_227 {strides = array<i32>} : memref<128x128xf32, #tpu.memory_space<vmem>>, vector<1x16xf32>,
    %swap3A_228 = arith.constant 127 : i32
    %swap3A_229 = arith.index_cast %swap3A_228 : i32 to index
    %swap3A_230 = arith.constant 32 : index
    %swap3A_231 = tpu.vector_load %arg7[%swap3A_229, %swap3A_230] {strides = array<i32>} : memref<128x128xf32, #tpu.memory_space<vmem>>, vector<1x16xf32>,
    %swap3A_232 = vector.shape_cast %swap3A_231 : vector<1x16xf32> to vector<16xf32>
    %swap3A_233 = vector.shape_cast %scan3A_214#2 : vector<16xf32> to vector<1x16xf32>
    tpu.vector_store %arg7[%swap3A_229, %swap3A_230], %swap3A_233 {strides = array<i32>} : memref<128x128xf32, #tpu.memory_space<vmem>>, vector<1x16xf32>,
    %swap3A_234 = arith.constant 127 : i32
    %swap3A_235 = arith.index_cast %swap3A_234 : i32 to index
    %swap3A_236 = arith.constant 48 : index
    %swap3A_237 = tpu.vector_load %arg7[%swap3A_235, %swap3A_236] {strides = array<i32>} : memref<128x128xf32, #tpu.memory_space<vmem>>, vector<1x16xf32>,
    %swap3A_238 = vector.shape_cast %swap3A_237 : vector<1x16xf32> to vector<16xf32>
    %swap3A_239 = vector.shape_cast %scan3A_214#3 : vector<16xf32> to vector<1x16xf32>
    tpu.vector_store %arg7[%swap3A_235, %swap3A_236], %swap3A_239 {strides = array<i32>} : memref<128x128xf32, #tpu.memory_space<vmem>>, vector<1x16xf32>,
    %swap3A_240 = arith.constant 127 : i32
    %swap3A_241 = arith.index_cast %swap3A_240 : i32 to index
    %swap3A_242 = arith.constant 64 : index
    %swap3A_243 = tpu.vector_load %arg7[%swap3A_241, %swap3A_242] {strides = array<i32>} : memref<128x128xf32, #tpu.memory_space<vmem>>, vector<1x16xf32>,
    %swap3A_244 = vector.shape_cast %swap3A_243 : vector<1x16xf32> to vector<16xf32>
    %swap3A_245 = vector.shape_cast %scan3A_214#4 : vector<16xf32> to vector<1x16xf32>
    tpu.vector_store %arg7[%swap3A_241, %swap3A_242], %swap3A_245 {strides = array<i32>} : memref<128x128xf32, #tpu.memory_space<vmem>>, vector<1x16xf32>,
    %swap3A_246 = arith.constant 127 : i32
    %swap3A_247 = arith.index_cast %swap3A_246 : i32 to index
    %swap3A_248 = arith.constant 80 : index
    %swap3A_249 = tpu.vector_load %arg7[%swap3A_247, %swap3A_248] {strides = array<i32>} : memref<128x128xf32, #tpu.memory_space<vmem>>, vector<1x16xf32>,
    %swap3A_250 = vector.shape_cast %swap3A_249 : vector<1x16xf32> to vector<16xf32>
    %swap3A_251 = vector.shape_cast %scan3A_214#5 : vector<16xf32> to vector<1x16xf32>
    tpu.vector_store %arg7[%swap3A_247, %swap3A_248], %swap3A_251 {strides = array<i32>} : memref<128x128xf32, #tpu.memory_space<vmem>>, vector<1x16xf32>,
    %swap3A_252 = arith.constant 127 : i32
    %swap3A_253 = arith.index_cast %swap3A_252 : i32 to index
    %swap3A_254 = arith.constant 96 : index
    %swap3A_255 = tpu.vector_load %arg7[%swap3A_253, %swap3A_254] {strides = array<i32>} : memref<128x128xf32, #tpu.memory_space<vmem>>, vector<1x16xf32>,
    %swap3A_256 = vector.shape_cast %swap3A_255 : vector<1x16xf32> to vector<16xf32>
    %swap3A_257 = vector.shape_cast %scan3A_214#6 : vector<16xf32> to vector<1x16xf32>
    tpu.vector_store %arg7[%swap3A_253, %swap3A_254], %swap3A_257 {strides = array<i32>} : memref<128x128xf32, #tpu.memory_space<vmem>>, vector<1x16xf32>,
    %swap3A_258 = arith.constant 127 : i32
    %swap3A_259 = arith.index_cast %swap3A_258 : i32 to index
    %swap3A_260 = arith.constant 112 : index
    %swap3A_261 = tpu.vector_load %arg7[%swap3A_259, %swap3A_260] {strides = array<i32>} : memref<128x128xf32, #tpu.memory_space<vmem>>, vector<1x16xf32>,
    %swap3A_262 = vector.shape_cast %swap3A_261 : vector<1x16xf32> to vector<16xf32>
    %swap3A_263 = vector.shape_cast %scan3A_214#7 : vector<16xf32> to vector<1x16xf32>
    tpu.vector_store %arg7[%swap3A_259, %swap3A_260], %swap3A_263 {strides = array<i32>} : memref<128x128xf32, #tpu.memory_space<vmem>>, vector<1x16xf32>,
    %mul3A_264 = arith.constant 128 : i32
    %mul3A_265 = arith.muli %add3A, %mul3A_264 : i32
    "tpu.region"() ({
      %run_scoped3A = tpu.sem_alloc : memref<!tpu.dma_semaphore, #tpu.memory_space<semaphore_mem>>
      %dma_start3A_266 = arith.constant 0 : i32
      %dma_start3A_267 = tpu.memref_slice %arg4[%mul3A_265, %dma_start3A_266] : memref<4096x128xf32, #tpu.memory_space<hbm>> -> memref<128x128xf32, #tpu.memory_space<hbm>>
      %dma_start3A_268 = arith.constant 0 : i32
      %dma_start3A_269 = tpu.memref_slice %arg4[%mul3A_265, %dma_start3A_268] : memref<4096x128xf32, #tpu.memory_space<hbm>> -> memref<128x128xf32, #tpu.memory_space<hbm>>
      tpu.enqueue_dma source(%arg7 : memref<128x128xf32, #tpu.memory_space<vmem>>) target(%dma_start3A_269 : memref<128x128xf32, #tpu.memory_space<hbm>>) target_semaphore(%run_scoped3A : memref<!tpu.dma_semaphore, #tpu.memory_space<semaphore_mem>>)
      %dma_wait3A_270 = arith.constant 0 : i32
      %dma_wait3A_271 = tpu.memref_slice %arg4[%mul3A_265, %dma_wait3A_270] : memref<4096x128xf32, #tpu.memory_space<hbm>> -> memref<128x128xf32, #tpu.memory_space<hbm>>
      %dma_wait3A_272 = arith.constant 0 : i32
      %dma_wait3A_273 = tpu.memref_slice %arg4[%mul3A_265, %dma_wait3A_272] : memref<4096x128xf32, #tpu.memory_space<hbm>> -> memref<128x128xf32, #tpu.memory_space<hbm>>
      tpu.wait_dma2 semaphore(%run_scoped3A : memref<!tpu.dma_semaphore, #tpu.memory_space<semaphore_mem>>) src(%arg7 : memref<128x128xf32, #tpu.memory_space<vmem>>) dst(%dma_wait3A_273 : memref<128x128xf32, #tpu.memory_space<hbm>>)
      tpu.yield
    }) : () -> ()
    return
  }
}

module attributes {stable_mosaic.version = 14 : i64} {
  func.func @_fc_body(%arg0: i32, %arg1: memref<1024x128xf32, #tpu.memory_space<vmem>>, %arg2: memref<128x256xf32, #tpu.memory_space<vmem>>, %arg3: memref<1x256xf32, #tpu.memory_space<vmem>>, %arg4: memref<1024x256xf32, #tpu.memory_space<vmem>>) attributes {dimension_semantics = [#tpu.dimension_semantics<arbitrary>], iteration_bounds = array<i64: 4>, scalar_prefetch = 0 : i64, scratch_operands = 0 : i64, tpu.core_type = #tpu.core_type<tc>, window_params = [{transform_indices = @transform_0, window_bounds = array<i64: 1024, 128>}, {pipeline_mode = #tpu.pipeline_mode<synchronous>, transform_indices = @transform_1, window_bounds = array<i64: 128, 256>}, {pipeline_mode = #tpu.pipeline_mode<synchronous>, transform_indices = @transform_2, window_bounds = array<i64: 1, 256>}, {transform_indices = @transform_3, window_bounds = array<i64: 1024, 256>}]} {
    %get3A = arith.constant 0 : index
    %get3A_0 = arith.constant 0 : index
    %get3A_1 = vector.load %arg1[%get3A, %get3A_0] : memref<1024x128xf32, #tpu.memory_space<vmem>>, vector<1024x128xf32>
    %get3A_2 = arith.constant 0 : index
    %get3A_3 = arith.constant 0 : index
    %get3A_4 = vector.load %arg2[%get3A_2, %get3A_3] : memref<128x256xf32, #tpu.memory_space<vmem>>, vector<128x256xf32>
    %dot_general3A = arith.constant dense<0.000000e+00> : vector<1024x256xf32>
    %dot_general3A_5 = tpu.matmul %get3A_1, %get3A_4, %dot_general3A {dimension_numbers = #tpu.dot_dimension_numbers<[1], [0], [0], [1], [0, 0, 1, 1], [], []>, transpose_lhs_hint = false} : vector<1024x128xf32>, vector<128x256xf32>, vector<1024x256xf32> -> vector<1024x256xf32>
    %get3A_6 = arith.constant 0 : index
    %get3A_7 = arith.constant 0 : index
    %get3A_8 = vector.load %arg3[%get3A_6, %get3A_7] : memref<1x256xf32, #tpu.memory_space<vmem>>, vector<1x256xf32>
    %add3A = vector.broadcast %get3A_8 : vector<1x256xf32> to vector<1024x256xf32>
    %add3A_9 = arith.addf %dot_general3A_5, %add3A : vector<1024x256xf32>
    %max3A = arith.constant 0.000000e+00 : f32
    %max3A_10 = vector.broadcast %max3A : f32 to vector<1024x256xf32>
    %max3A_11 = arith.maximumf %add3A_9, %max3A_10 : vector<1024x256xf32>
    %swap3A = arith.constant 0 : index
    %swap3A_12 = arith.constant 0 : index
    %swap3A_13 = vector.load %arg4[%swap3A, %swap3A_12] : memref<1024x256xf32, #tpu.memory_space<vmem>>, vector<1024x256xf32>
    tpu.vector_store %arg4[%swap3A, %swap3A_12], %max3A_11 {strides = array<i32>} : memref<1024x256xf32, #tpu.memory_space<vmem>>, vector<1024x256xf32>,
    return
  }
  func.func @transform_0(%arg0: i32) -> (i32, i32) {
    %c0_i32 = arith.constant 0 : i32
    %c0_i32_0 = arith.constant 0 : i32
    return %arg0, %c0_i32 : i32, i32
  }
  func.func @transform_1(%arg0: i32) -> (i32, i32) {
    %c0_i32 = arith.constant 0 : i32
    %c0_i32_0 = arith.constant 0 : i32
    %c0_i32_1 = arith.constant 0 : i32
    return %c0_i32, %c0_i32_0 : i32, i32
  }
  func.func @transform_2(%arg0: i32) -> (i32, i32) {
    %c0_i32 = arith.constant 0 : i32
    %c0_i32_0 = arith.constant 0 : i32
    %c0_i32_1 = arith.constant 0 : i32
    return %c0_i32, %c0_i32_0 : i32, i32
  }
  func.func @transform_3(%arg0: i32) -> (i32, i32) {
    %c0_i32 = arith.constant 0 : i32
    %c0_i32_0 = arith.constant 0 : i32
    return %arg0, %c0_i32 : i32, i32
  }
}

</mosaic_0001>

<sc_bundles>
// kernel: kernel.4.cloned.1.call-start
scs
__scs_entry_jumppad:
0x0: {  	(pc) =	sbr.rel $0x88, $3  }
0x1: {  	(tag) =	ssettag $0x0;
	lr =	simm.s32 $0x1  }
0x2: {  	[smem:$0x3F9D] =	sst lr;
	_ =	strace $0xD0000000  }
0x3: {  	_ = 	snop  }
0x4: {  	_ = 	snop  }
0x5: {  	_ = 	snop  }
0x6: {  	_ = 	snop  }
0x7: {  	_ = 	snop  }
__scs_overlays_trampoline_lowered:
0x8: {  	[smem:$0x3FAC] =	sst s0  }
0x9: {  	[smem:$0x3FAD] =	sst s1  }
0xa: {  	[smem:$0x3FAE] =	sst s2  }
0xb: {  	[smem:$0x3FAF] =	sst s3  }
0xc: {  	[smem:$0x3FB0] =	sst s4  }
0xd: {  	[smem:$0x3FB1] =	sst s5  }
0xe: {  	[smem:$0x3FB2] =	sst s6  }
0xf: {  	[smem:$0x3FB3] =	sst s7  }
0x10: {  	[smem:$0x3FB4] =	sst s8  }
0x11: {  	[smem:$0x3FB5] =	sst s9;
	s0 =	simm.s32 @!p0 $0x0  }
0x12: {  	s1 =	sld [smem:$0x3F9B];
	s0 =	simm.s32 @p0 $0x1  }
0x13: {  	[smem:$0x3FB6] =	sst s0;
	s0 =	simm.s32 @!p1 $0x0  }
0x14: {  	s2 =	sld [smem:$0x3F9A];
	s0 =	simm.s32 @p1 $0x1  }
0x15: {  	[smem:$0x3FB7] =	sst s0;
	s0 =	simm.s32 @!p2 $0x0  }
0x16: {  	s3 =	sld [smem:$0x3FDB];
	s0 =	simm.s32 @p2 $0x1  }
0x17: {  	s4 =	simm.s32 $0x1BF5;
	[smem:$0x3FB9] =	sst s0  }
0x18: {  	s0 =	sld [smem:$0x3F9C];
	_ =	swait.ge [sflag:s4], $0x0  }
0x19: {  	s7 =	sld [smem:$0x3F9D]  }
0x1a: {  	s8 =	sadd.s32 $0xFFFFE003, lr  }
0x1b: {  	s9 =	sadd.s32 $0xFFFFFEF7, lr;
	s5 =	simm.s32 $0xFFFFFFFF;
	p2 =	slt.u32 s8, $0xFFFFF086  }
0x1c: {  	p1 =	slt.u32 s9, $0xF7A;
	s5 =	simm.s32 @!p2 $0x0  }
0x1d: {  	s5 =	simm.s32 @p1 $0x1;
	p0 =	seq.s32 s7, s2  }
0x1e: {  	s7 =	smul.u32 @!p0 $0xF7A, s2;
	p2 =	seq.s32 @!p0 s5, $0x0  }
0x1f: {  	s9 =	smul.u32 $0xF7A, s1;
	s8 =	simm.s32 @!p0 $0x1BF5;
	p2 =	por !p2, p0  }
0x20: {  	[sflag:s8] =	ssyncset.s32 @!p0 $0xFFFFF086;
	s6 =	sadd.s32 @!p0 s3, s7;
	s7 =	simm.s32 @!p0 $0x108  }
0x21: {  	s3 =	sadd.s32 s3, s9;
	s6 =	sadd.s32 @!p0 $0x88, s6;
	s7 =	simm.s32 @p2 $0x1082  }
0x22: {  	[simem:s7], [sflag:s8] =	dma.local @!p0 [hbm:s6], $0xF7A  }
0x23: {  	s9 =	sor.u32 $0xD0000000, s2;
	s6 =	simm.s32 $0x108;
	_ =	swait.ge @!p0 [sflag:s8], $0x0  }
0x24: {  	s3 =	sadd.s32 $0x88, s3;
	s6 =	simm.s32 @!p1 $0x1082;
	[sflag:s4] =	ssyncset.s32 $0xFFFFF086  }
0x25: {  	[simem:s6], [sflag:s4] =	dma.local [hbm:s3], $0xF7A  }
0x26: {  	[smem:$0x3F9D] =	sst s1;
	(tag) =	ssettag s2;
	_ =	strace s9  }
0x27: {  	s1 =	sld [smem:$0x3FAD]  }
0x28: {  	s2 =	sld [smem:$0x3FAE]  }
0x29: {  	s4 =	sld [smem:$0x3FB0]  }
0x2a: {  	p0 =	seq.s32 s5, $0x0;
	s5 =	sld [smem:$0x3FB1]  }
0x2b: {  	s6 =	sld [smem:$0x3FB2]  }
0x2c: {  	s7 =	sld [smem:$0x3FB3]  }
0x2d: {  	s3 =	simm.s32 $0x108;
	s8 =	sld [smem:$0x3FB4]  }
0x2e: {  	s3 =	simm.s32 @!p0 $0x1082;
	s9 =	sld [smem:$0x3FB5]  }
0x2f: {  	lr =	sadd.s32 s0, s3;
	s0 =	sld [smem:$0x3FAC]  }
0x30: {  	s3 =	sld [smem:$0x3FAF]  }
0x31: {  	[smem:$0x3FB8] =	sst s10  }
0x32: {  	s10 =	sld [smem:$0x3FB6];
	_ =	sdelay $0x3  }
0x33: {  	p0 =	seq.s32 s10, $0x1;
	s10 =	sld [smem:$0x3FB8];
	_ =	sdelay $0x3  }
0x34: {  	[smem:$0x3FB8] =	sst s10  }
0x35: {  	s10 =	sld [smem:$0x3FB7];
	_ =	sdelay $0x3  }
0x36: {  	p1 =	seq.s32 s10, $0x1;
	s10 =	sld [smem:$0x3FB8];
	_ =	sdelay $0x3  }
0x37: {  	[smem:$0x3FB8] =	sst s10  }
0x38: {  	s10 =	sld [smem:$0x3FB9]  }
0x39: {  	_ = 	snop;
	(pc) =	sbr.ind lr, $3  }
0x3a: {  	_ = 	snop  }
0x3b: {  	_ = 	snop  }
0x3c: {  	p2 =	seq.s32 s10, $0x1;
	s10 =	sld [smem:$0x3FB8]  }
0x3d: {  	_ =	shalt  }
0x3e: {  	_ =	shalt  }
0x3f: {  	_ =	shalt  }
0x40: {  	_ =	shalt  }
0x41: {  	_ =	shalt  }
0x42: {  	_ =	shalt  }
0x43: {  	_ =	shalt  }
0x44: {  	_ =	shalt  }
0x45: {  	_ =	shalt  }
0x46: {  	_ =	shalt  }
0x47: {  	_ =	shalt  }
0x48: {  	_ =	shalt  }
0x49: {  	_ =	shalt  }
0x4a: {  	_ =	shalt  }
0x4b: {  	_ =	shalt  }
0x4c: {  	_ =	shalt  }
0x4d: {  	_ =	shalt  }
0x4e: {  	_ =	shalt  }
0x4f: {  	_ =	shalt  }
0x50: {  	_ =	shalt  }
0x51: {  	_ =	shalt  }
0x52: {  	_ =	shalt  }
0x53: {  	_ =	shalt  }
0x54: {  	_ =	shalt  }
0x55: {  	_ =	shalt  }
0x56: {  	_ =	shalt  }
0x57: {  	_ =	shalt  }
0x58: {  	_ =	shalt  }
0x59: {  	_ =	shalt  }
0x5a: {  	_ =	shalt  }
0x5b: {  	_ =	shalt  }
0x5c: {  	_ =	shalt  }
0x5d: {  	_ =	shalt  }
0x5e: {  	_ =	shalt  }
0x5f: {  	_ =	shalt  }
0x60: {  	_ =	shalt  }
0x61: {  	_ =	shalt  }
0x62: {  	_ =	shalt  }
0x63: {  	_ =	shalt  }
0x64: {  	_ =	shalt  }
0x65: {  	_ =	shalt  }
0x66: {  	_ =	shalt  }
0x67: {  	_ =	shalt  }
0x68: {  	_ =	shalt  }
0x69: {  	_ =	shalt  }
0x6a: {  	_ =	shalt  }
0x6b: {  	_ =	shalt  }
0x6c: {  	_ =	shalt  }
0x6d: {  	_ =	shalt  }
0x6e: {  	_ =	shalt  }
0x6f: {  	_ =	shalt  }
0x70: {  	_ =	shalt  }
0x71: {  	_ =	shalt  }
0x72: {  	_ =	shalt  }
0x73: {  	_ =	shalt  }
0x74: {  	_ =	shalt  }
0x75: {  	_ =	shalt  }
0x76: {  	_ =	shalt  }
0x77: {  	_ =	shalt  }
0x78: {  	_ =	shalt  }
0x79: {  	_ =	shalt  }
0x7a: {  	_ =	shalt  }
0x7b: {  	_ =	shalt  }
0x7c: {  	_ =	shalt  }
0x7d: {  	_ =	shalt  }
0x7e: {  	_ =	shalt  }
0x7f: {  	_ =	shalt  }
0x80: {  	_ =	shalt  }
0x81: {  	_ =	shalt  }
0x82: {  	_ =	shalt  }
0x83: {  	_ =	shalt  }
0x84: {  	_ =	shalt  }
0x85: {  	_ =	shalt  }
0x86: {  	_ =	shalt  }
0x87: {  	_ =	shalt  }
.Lfunc_end0:
.L_simem_size_0:
called_computation_lowered:
.L_overlay_start_0:
0x88: {  	s2 =	sld [smem:$0x3FD9]  }
0x89: {  	s3 =	sld [smem:$0x3FFE];
	_ =	sdelay $0x1  }
0x8a: {  	s1 =	srdreg.scid  }
0x8b: {  	s0 =	sand.u32 $0x1, s1  }
0x8c: {  	s17 =	sshll.u32 s0, $0xA;
	s2 =	sadd.s32 s3, s2  }
0x8d: {  	s2 =	sadd.s32 s2, s17  }
0x8e: {  	[smem:$0x3FC4] =	sst s2  }
0x8f: {  	_ = 	snop  }
0x90: {  	s2 =	sld [smem:$0x3FC8]  }
0x91: {  	s18 =	sld [smem:$0x3FD0];
	(tm) =	ssettm $0x1  }
0x92: {  	s4 =	sld [smem:$0x3FFB];
	_ =	sdelay $0x3  }
0x93: {  	_ =	strace s4  }
0x94: {  	s4 =	sld [smem:$0x3FFC];
	_ =	sdelay $0x3  }
0x95: {  	_ =	strace s4  }
0x96: {  	s4 =	sld [smem:$0x3FFD];
	_ =	sdelay $0x3  }
0x97: {  	_ =	strace s4  }
0x98: {  	_ =	strace $0x8FFFFFFF  }
0x99: {  	s19 =	sld [smem:$0x3FDB];
	_ =	sdelay $0x1  }
0x9a: {  	s5 =	simm.s32 $_scs_section_size  }
0x9b: {  	s6 =	simm.s32 $_size__tile_overlayer_lowered;
	s7 =	simm.s32 $_tile_overlayer_lowered  }
0x9c: {  	s22 =	simm.s32 $0x1BFF;
	s21 =	sshll.u32 s7, $0x1;
	s4 =	sadd.s32 s5, s19  }
0x9d: {  	s8 =	simm.s32 $0x0;
	s20 =	sshll.u32 s6, $0x1;
	s6 =	sadd.s32 s21, s4  }
0x9e: {  	[timem:s8], [sflag:s22] =	dma.local [hbm:s6], s20  }
0x9f: {  	_ =	swait.ge [sflag:s22], s20  }
0xa0: {  	s5 =	ssub.s32 $0x0, s20;
	[sflag:s22] =	ssyncset.done $0x0  }
0xa1: {  	[sflag:s22] =	ssyncadd.s32 s5;
	_ =	sdelay $0x1  }
0xa2: {  	s23 =	simm.s32 $0x1B8B  }
0xa3: {  	_ =	swait.ge [sflag:s23], $0x1  }
0xa4: {  	[sflag:s23] =	ssyncset.done $0x0  }
0xa5: {  	s25 =	simm.s32 $0x1B8E;
	s24 =	sld [smem:$0x3FFE];
	[sflag:s23] =	ssyncadd.s32 $0xFFFFFFFF  }
0xa6: {  	s26 =	simm.s32 $execute0_lowered;
	[smem:$0x3FD2] =	sst s25  }
0xa7: {  	s6 =	sshll.u32 s26, $0x1;
	_ =	strace $0x80000046;
	[dreg:$0x1] =	wrdreg $0xFFFFFFFF  }
0xa8: {  	s28 =	simm.s32 $_size_execute0_lowered;
	s4 =	sadd.s32 s4, s6;
	[dreg:$0x0] =	wrdreg $0x0  }
0xa9: {  	s6 =	sshll.u32 s28, $0x1;
	[dreg:$0x2] =	wrdreg s4  }
0xaa: {  	[dreg:$0x3] =	wrdreg s6  }
0xab: {  	[dreg:$0x4] =	wrdreg $0xC0  }
0xac: {  	_ =	task [dreg:s8], $0x5FFFF  }
0xad: {  	[dreg:$0x1] =	wrdreg $0xFFFFFFFF  }
0xae: {  	[dreg:$0x0] =	wrdreg $0x60  }
0xaf: {  	[dreg:$0x2] =	wrdreg s18  }
0xb0: {  	[dreg:$0x3] =	wrdreg s2  }
0xb1: {  	[dreg:$0x4] =	wrdreg s24  }
0xb2: {  	[dreg:$0x5] =	wrdreg $0x9  }
0xb3: {  	_ =	task.clear_ibuf [dreg:s8], $0x6FFFF;
	_ =	strace $0x90000046  }
0xb4: {  	s29 =	simm.s32 $0x9;
	_ =	strace $0x80000048  }
0xb5: {  	_ =	swait.ge [sflag:s29], $0x1  }
0xb6: {  	[sflag:s29] =	ssyncadd.s32 $0xFFFFFFFF  }
0xb7: {  	_ =	strace $0x90000048  }
0xb8: {  	_ =	sfence  }
0xb9: {  	s30 =	sld [smem:$0x0];
	_ =	sdelay $0x2  }
0xba: {  	s31 =	sshll.u32 s1, $0xD;
	s1 =	sshrl.u32 s1, $0x2  }
0xbb: {  	s3 =	sand.u32 $0x4000, s31;
	s1 =	sadd.s32 s1, s30  }
0xbc: {  	s0 =	sor.u32 s3, s0;
	s1 =	sshll.u32 s1, $0x11  }
0xbd: {  	s0 =	sor.u32 s1, s0  }
0xbe: {  	s0 =	sadd.s32 $0x8F2B, s0  }
0xbf: {  	[sflag:s0] =	ssyncadd.remote.s32 $0x1  }
0xc0: {  	_ =	sfence.sel $0xFFFF  }
0xc1: {  	[dreg:$0x0] =	wrdreg $0xFFFFFFFF;
	(pc) =	sbr.abs _section_cstart, $3  }
0xc2: {  	[dreg:$0x1] =	wrdreg $0xFFFFFFFF  }
0xc3: {  	_ =	task.clear_ibuf [dreg:s8], $0x2FFFF;
	_ =	strace $0x9FFFFFFF  }
0xc4: {  	(tm) =	ssettm $0x7FFFFFFF  }
0xc5: {  	_ =	shalt  }
tec
execute0_lowered:
.L_overlay_start_1:
0x0: {  	(tag) =	ssettag $0x1  }
0x1: {  	s4 =	rddreg [dreg:$0x0]  }
0x2: {  	s2 =	rddreg [dreg:$0x1]  }
0x3: {  	s5 =	rddreg [dreg:$0x2];
	s3 =	srdreg.scid  }
0x4: {  	s0 =	rddreg [dreg:$0x3];
	s1 =	stileid.u32;
	s10 =	simm.s32 $0x48  }
0x5: {  	s11 =	simm.s32 $0x400;
	s12 =	simm.s32 $0xC000;
	s13 =	simm.s32 $0xE400  }
0x6: {  	s14 =	simm.s32 $0x480;
	s15 =	simm.s32 $0x12400;
	s16 =	simm.s32 $0x100  }
0x7: {  	s17 =	simm.s32 $0x14800;
	s18 =	simm.s32 $0x500;
	s19 =	simm.s32 $0x18800  }
0x8: {  	s20 =	simm.s32 $0x1;
	s21 =	simm.s32 $0x2;
	s22 =	simm.s32 $0x3  }
0x9: {  	s23 =	simm.s32 $0x1AC00;
	s24 =	simm.s32 $0x0;
	s6 =	sand.u32 $0x1, s3  }
0xa: {  	s3 =	simm.s32 $0x0;
	s7 =	sshll.u32 s1, $0x8;
	s8 =	sshll.u32 s6, $0x7  }
0xb: {  	[smem:$0x7FF] =	sst s3;
	s6 =	ssub.s32 $0x2, s6;
	s7 =	sor.u32 s8, s7  }
0xc: {  	_ =	strace $0x80000047;
	s9 =	sshrl.u32 s6, $0x1;
	s8 =	sshll.u32 s7, $0x4  }
0xd: {  	s6 =	ssub.s32 s6, s9;
	s7 =	sshll.u32 s7, $0x5;
	s9 =	simm.s32 $0x8000  }
0xe: {  	s5 =	sadd.s32 s8, s5;
	s4 =	sadd.s32 s4, s7;
	s6 =	smax.u32 s6, $0x1  }
0xf: {  	s7 =	simm.s32 $0x4;
	s8 =	simm.s32 $0x80;
	s5 =	sadd.s32 $0xA00, s5  }
.LBB2_1:
0x10: {  	[tilespmem:s3], [sflag:$0x4] =	stream.linear.gather [hbm4b:s4+s3], $0x8000, $0x38;
	[tilespmem:$0x1EC00] =	vst v63  }
0x11: {  	_ =	swait.ge [sflag:s7], $0x8000  }
0x12: {  	[sflag:s7] =	ssyncset.done $0x0  }
0x13: {  	[sflag:s7] =	ssyncadd.s32 $0xFFFF8000  }
0x14: {  	[tilespmem:s9], [sflag:$0x1] =	stream.indirect.gather [hbm4b:s2+s8], $0x80, s3, s8, $0xb8;
	[tilespmem:$0x1EC00] =	vst v63  }
0x15: {  	_ = 	snop  }
0x16: {  	[tilespmem:s12], [sflag:$0x1] =	stream.indirect.gather [hbm4b:s2+s10], $0x80, s11, s10, $0xb8;
	[tilespmem:$0x1EC00] =	vst v63  }
0x17: {  	_ = 	snop  }
0x18: {  	[tilespmem:s13], [sflag:$0x2] =	stream.indirect.gather [hbm4b:s2+s8], $0x80, s8, s8, $0xb8;
	[tilespmem:$0x1EC00] =	vst v63  }
0x19: {  	_ = 	snop  }
0x1a: {  	[tilespmem:s15], [sflag:$0x2] =	stream.indirect.gather [hbm4b:s2+s10], $0x80, s14, s10, $0xb8;
	[tilespmem:$0x1EC00] =	vst v63  }
0x1b: {  	_ = 	snop  }
0x1c: {  	[tilespmem:s17], [sflag:$0x3] =	stream.indirect.gather [hbm4b:s2+s8], $0x80, s16, s8, $0xb8;
	[tilespmem:$0x1EC00] =	vst v63  }
0x1d: {  	s25 =	simm.s32 $0x0  }
0x1e: {  	[tilespmem:s19], [sflag:$0x3] =	stream.indirect.gather [hbm4b:s2+s10], $0x80, s18, s10, $0xb8;
	[tilespmem:$0x1EC00] =	vst v63  }
.LBB2_2:
0x1f: {  	_ =	swait.ge [sflag:s20], $0x6400  }
0x20: {  	[sflag:s20] =	ssyncset.done $0x0  }
0x21: {  	s28 =	simm.s32 $0x8100;
	[sflag:s20] =	ssyncadd.s32 $0xFFFF9C00  }
0x22: {  	v4 =	vld [tilespmem:s28+$0x80]  }
0x23: {  	v5 =	vld [tilespmem:s28+$0x90]  }
0x24: {  	v11 =	vld [tilespmem:s28+$0xA0]  }
0x25: {  	v12 =	vld [tilespmem:s28+$0xB0]  }
0x26: {  	v0 =	vld [tilespmem:s28+$0xC0]  }
0x27: {  	v1 =	vld [tilespmem:s28+$0xD0]  }
0x28: {  	v6 =	vld [tilespmem:s28+$0x0]  }
0x29: {  	v7 =	vld [tilespmem:s28+$0x10]  }
0x2a: {  	v9 =	vld [tilespmem:s28+$0x20]  }
0x2b: {  	v10 =	vld [tilespmem:s28+$0x30]  }
0x2c: {  	v3 =	vld [tilespmem:s28+$0x40]  }
0x2d: {  	v2 =	vld [tilespmem:s28+$0x50]  }
0x2e: {  	v8 =	vld [tilespmem:s28+$0xFFFFFF80]  }
0x2f: {  	v13 =	vld [tilespmem:s28+$0xFFFFFF90]  }
0x30: {  	v14 =	vld [tilespmem:s28+$0xFFFFFF00]  }
0x31: {  	v15 =	vld [tilespmem:s28+$0xFFFFFF10]  }
0x32: {  	v16 =	vld [tilespmem:s28+$0xFFFFFF20]  }
0x33: {  	v17 =	vld [tilespmem:s28+$0xFFFFFF30]  }
0x34: {  	v18 =	vld [tilespmem:s28+$0xFFFFFFA0]  }
0x35: {  	v19 =	vld [tilespmem:s28+$0xFFFFFFB0]  }
0x36: {  	v20 =	vimm.f32 $0.0e+00;
	v21 =	vld [tilespmem:s28+$0xFFFFFFC0]  }
0x37: {  	v22 =	vld [tilespmem:s28+$0xFFFFFFD0];
	v14 =	vadd.f32 v14, v20;
	v15 =	vadd.f32 v15, v20  }
0x38: {  	v23 =	vld [tilespmem:s28+$0xFFFFFF40];
	v16 =	vadd.f32 v16, v20;
	v17 =	vadd.f32 v17, v20  }
0x39: {  	v24 =	vld [tilespmem:s28+$0xFFFFFF50];
	v8 =	vadd.f32 v8, v14;
	v13 =	vadd.f32 v13, v15  }
0x3a: {  	v14 =	vld [tilespmem:s28+$0xFFFFFF60];
	v15 =	vadd.f32 v18, v16;
	v16 =	vadd.f32 v19, v17  }
0x3b: {  	v17 =	vld [tilespmem:s28+$0xFFFFFF70];
	v6 =	vadd.f32 v6, v8;
	v13 =	vadd.f32 v7, v13  }
0x3c: {  	v8 =	vld [tilespmem:s28+$0xFFFFFFE0];
	v15 =	vadd.f32 v9, v15;
	v16 =	vadd.f32 v10, v16  }
0x3d: {  	v10 =	vld [tilespmem:s28+$0xFFFFFFF0];
	v7 =	vadd.f32 v4, v6;
	v6 =	vadd.f32 v5, v13  }
0x3e: {  	v9 =	vld [tilespmem:s28+$0x60];
	v5 =	vadd.f32 v11, v15;
	v4 =	vadd.f32 v12, v16  }
0x3f: {  	v13 =	vadd.f32 v23, v20;
	v16 =	vadd.f32 v24, v20;
	v12 =	vld [tilespmem:s28+$0x70]  }
0x40: {  	v11 =	vld [tilespmem:s28+$0xE0];
	v15 =	vadd.f32 v14, v20;
	v14 =	vadd.f32 v17, v20  }
0x41: {  	s26 =	simm.s32 $0x0;
	v17 =	vadd.f32 v21, v13;
	v16 =	vadd.f32 v22, v16;
	v13 =	vld [tilespmem:s28+$0xF0];
	s28 =	simm.s32 $0x8300  }
.LBB2_3:
0x42: {  	v18 =	vld [tilespmem:s28+$0x80];
	v8 =	vadd.f32 v8, v15;
	v10 =	vadd.f32 v10, v14  }
0x43: {  	v14 =	vld [tilespmem:s28+$0x90];
	v3 =	vadd.f32 v3, v17;
	v2 =	vadd.f32 v2, v16  }
0x44: {  	v15 =	vld [tilespmem:s28+$0xA0];
	v8 =	vadd.f32 v9, v8;
	v9 =	vadd.f32 v12, v10  }
0x45: {  	v12 =	vld [tilespmem:s28+$0xB0];
	v16 =	vadd.f32 v0, v3;
	v17 =	vadd.f32 v1, v2  }
0x46: {  	v0 =	vld [tilespmem:s28+$0xC0];
	v11 =	vadd.f32 v11, v8;
	v13 =	vadd.f32 v13, v9  }
0x47: {  	v1 =	vld [tilespmem:s28+$0xD0]  }
0x48: {  	v8 =	vld [tilespmem:s28+$0x0]  }
0x49: {  	v9 =	vld [tilespmem:s28+$0x10]  }
0x4a: {  	v10 =	vld [tilespmem:s28+$0x20]  }
0x4b: {  	v19 =	vld [tilespmem:s28+$0x30]  }
0x4c: {  	v3 =	vld [tilespmem:s28+$0x40]  }
0x4d: {  	v2 =	vld [tilespmem:s28+$0x50]  }
0x4e: {  	v20 =	vld [tilespmem:s28+$0xFFFFFF80]  }
0x4f: {  	v21 =	vld [tilespmem:s28+$0xFFFFFF90]  }
0x50: {  	v22 =	vld [tilespmem:s28+$0xFFFFFF00]  }
0x51: {  	v23 =	vld [tilespmem:s28+$0xFFFFFF10]  }
0x52: {  	v24 =	vld [tilespmem:s28+$0xFFFFFF20]  }
0x53: {  	v25 =	vld [tilespmem:s28+$0xFFFFFF30]  }
0x54: {  	v26 =	vld [tilespmem:s28+$0xFFFFFFA0]  }
0x55: {  	v27 =	vld [tilespmem:s28+$0xFFFFFFB0]  }
0x56: {  	v28 =	vld [tilespmem:s28+$0xFFFFFFC0]  }
0x57: {  	v7 =	vadd.f32 v22, v7;
	v6 =	vadd.f32 v23, v6;
	v22 =	vld [tilespmem:s28+$0xFFFFFFD0]  }
0x58: {  	v5 =	vadd.f32 v24, v5;
	v4 =	vadd.f32 v25, v4;
	v23 =	vld [tilespmem:s28+$0xFFFFFF40]  }
0x59: {  	v7 =	vadd.f32 v20, v7;
	v6 =	vadd.f32 v21, v6;
	v24 =	vld [tilespmem:s28+$0xFFFFFF50]  }
0x5a: {  	v5 =	vadd.f32 v26, v5;
	v20 =	vld [tilespmem:s28+$0xFFFFFF60];
	v4 =	vadd.f32 v27, v4  }
0x5b: {  	s26 =	sadd.s32 $0x4, s26;
	v7 =	vadd.f32 v8, v7;
	v6 =	vadd.f32 v9, v6;
	v21 =	vld [tilespmem:s28+$0xFFFFFF70]  }
0x5c: {  	p0 =	slt.u32 s26, $0xC4;
	v5 =	vadd.f32 v10, v5;
	v8 =	vld [tilespmem:s28+$0xFFFFFFE0];
	v4 =	vadd.f32 v19, v4  }
.Ltmp0:
0x5d: {  	v7 =	vadd.f32 v18, v7;
	v6 =	vadd.f32 v14, v6;
	v10 =	vld [tilespmem:s28+$0xFFFFFFF0];
	(pc) =	sbr.rel @p0 .LBB2_3-.Ltmp0, $4  }
0x5e: {  	v5 =	vadd.f32 v15, v5;
	v9 =	vld [tilespmem:s28+$0x60];
	v4 =	vadd.f32 v12, v4  }
0x5f: {  	v16 =	vadd.f32 v23, v16;
	v18 =	vadd.f32 v24, v17;
	v12 =	vld [tilespmem:s28+$0x70]  }
0x60: {  	v15 =	vadd.f32 v20, v11;
	v14 =	vadd.f32 v21, v13;
	v11 =	vld [tilespmem:s28+$0xE0]  }
0x61: {  	v17 =	vadd.f32 v28, v16;
	v16 =	vadd.f32 v22, v18;
	v13 =	vld [tilespmem:s28+$0xF0];
	s28 =	sadd.s32 $0x200, s28  }
0x62: {  	s26 =	smul.u32 $0x600, s25;
	_ =	sdelay $0x1  }
0x63: {  	s26 =	sshra.s32 s26, $0x2  }
0x64: {  	v8 =	vadd.f32 v8, v15;
	v3 =	vadd.f32 v3, v17;
	[tilespmem:s26+$0x1AC00] =	vst v7  }
0x65: {  	v2 =	vadd.f32 v2, v16;
	v7 =	vadd.f32 v10, v14;
	[tilespmem:s26+$0x1AC10] =	vst v6  }
0x66: {  	s28 =	smul.u32 $0x3, s25;
	v6 =	vadd.f32 v9, v8;
	v0 =	vadd.f32 v0, v3;
	[tilespmem:s26+$0x1AC20] =	vst v5  }
0x67: {  	v1 =	vadd.f32 v1, v2;
	[tilespmem:s26+$0x1AC30] =	vst v4;
	v3 =	vadd.f32 v12, v7  }
0x68: {  	s29 =	sadd.s32 $0x3, s28;
	v2 =	vadd.f32 v11, v6;
	[tilespmem:s26+$0x1AC40] =	vst v0  }
0x69: {  	s30 =	sshll.u32 s29, $0x8;
	s29 =	sshll.u32 s29, $0x7;
	[tilespmem:s26+$0x1AC50] =	vst v1;
	v0 =	vadd.f32 v13, v3  }
0x6a: {  	s30 =	sand.u32 $0x1F800, s30;
	s29 =	sand.u32 $0x380, s29;
	[tilespmem:s26+$0x1AC60] =	vst v2  }
0x6b: {  	s29 =	sor.u32 s29, s30;
	[tilespmem:s26+$0x1AC70] =	vst v0  }
0x6c: {  	[tilespmem:s9], [sflag:$0x1] =	stream.indirect.gather [hbm4b:s2+s8], $0x80, s29, s8, $0xb8;
	[tilespmem:$0x1EC00] =	vst v63  }
0x6d: {  	s29 =	sor.u32 $0x400, s29  }
0x6e: {  	[tilespmem:s12], [sflag:$0x1] =	stream.indirect.gather [hbm4b:s2+s10], $0x80, s29, s10, $0xb8;
	[tilespmem:$0x1EC00] =	vst v63  }
0x6f: {  	_ =	swait.ge [sflag:s21], $0x6400  }
0x70: {  	[sflag:s21] =	ssyncset.done $0x0  }
0x71: {  	s30 =	simm.s32 $0xE400;
	[sflag:s21] =	ssyncadd.s32 $0xFFFF9C00  }
0x72: {  	v4 =	vld [tilespmem:s30+$0x180]  }
0x73: {  	v5 =	vld [tilespmem:s30+$0x190]  }
0x74: {  	v11 =	vld [tilespmem:s30+$0x1A0]  }
0x75: {  	v12 =	vld [tilespmem:s30+$0x1B0]  }
0x76: {  	v0 =	vld [tilespmem:s30+$0x1C0]  }
0x77: {  	v1 =	vld [tilespmem:s30+$0x1D0]  }
0x78: {  	v6 =	vld [tilespmem:s30+$0x100]  }
0x79: {  	v7 =	vld [tilespmem:s30+$0x110]  }
0x7a: {  	v9 =	vld [tilespmem:s30+$0x120]  }
0x7b: {  	v10 =	vld [tilespmem:s30+$0x130]  }
0x7c: {  	v3 =	vld [tilespmem:s30+$0x140]  }
0x7d: {  	v2 =	vld [tilespmem:s30+$0x150]  }
0x7e: {  	v8 =	vld [tilespmem:s30+$0x80]  }
0x7f: {  	v13 =	vld [tilespmem:s30+$0x90]  }
0x80: {  	v14 =	vld [tilespmem:s30+$0x0]  }
0x81: {  	v15 =	vld [tilespmem:s30+$0x10]  }
0x82: {  	v16 =	vld [tilespmem:s30+$0x20]  }
0x83: {  	v17 =	vld [tilespmem:s30+$0x30]  }
0x84: {  	v18 =	vld [tilespmem:s30+$0xA0]  }
0x85: {  	v19 =	vld [tilespmem:s30+$0xB0]  }
0x86: {  	v20 =	vimm.f32 $0.0e+00;
	v21 =	vld [tilespmem:s30+$0xC0]  }
0x87: {  	v22 =	vld [tilespmem:s30+$0xD0];
	v14 =	vadd.f32 v14, v20;
	v15 =	vadd.f32 v15, v20  }
0x88: {  	v23 =	vld [tilespmem:s30+$0x40];
	v16 =	vadd.f32 v16, v20;
	v17 =	vadd.f32 v17, v20  }
0x89: {  	v24 =	vld [tilespmem:s30+$0x50];
	v8 =	vadd.f32 v8, v14;
	v13 =	vadd.f32 v13, v15  }
0x8a: {  	v14 =	vld [tilespmem:s30+$0x60];
	v15 =	vadd.f32 v18, v16;
	v16 =	vadd.f32 v19, v17  }
0x8b: {  	v17 =	vld [tilespmem:s30+$0x70];
	v6 =	vadd.f32 v6, v8;
	v13 =	vadd.f32 v7, v13  }
0x8c: {  	v8 =	vld [tilespmem:s30+$0xE0];
	v15 =	vadd.f32 v9, v15;
	v16 =	vadd.f32 v10, v16  }
0x8d: {  	v10 =	vld [tilespmem:s30+$0xF0];
	v7 =	vadd.f32 v4, v6;
	v6 =	vadd.f32 v5, v13  }
0x8e: {  	v9 =	vld [tilespmem:s30+$0x160];
	v5 =	vadd.f32 v11, v15;
	v4 =	vadd.f32 v12, v16  }
0x8f: {  	v13 =	vadd.f32 v23, v20;
	v16 =	vadd.f32 v24, v20;
	v12 =	vld [tilespmem:s30+$0x170]  }
0x90: {  	v11 =	vld [tilespmem:s30+$0x1E0];
	v15 =	vadd.f32 v14, v20;
	v14 =	vadd.f32 v17, v20  }
0x91: {  	s29 =	simm.s32 $0x0;
	v17 =	vadd.f32 v21, v13;
	v16 =	vadd.f32 v22, v16;
	v13 =	vld [tilespmem:s30+$0x1F0];
	s30 =	simm.s32 $0xE600  }
.LBB2_5:
0x92: {  	v18 =	vld [tilespmem:s30+$0x180];
	v8 =	vadd.f32 v8, v15;
	v10 =	vadd.f32 v10, v14  }
0x93: {  	v14 =	vld [tilespmem:s30+$0x190];
	v3 =	vadd.f32 v3, v17;
	v2 =	vadd.f32 v2, v16  }
0x94: {  	v15 =	vld [tilespmem:s30+$0x1A0];
	v8 =	vadd.f32 v9, v8;
	v9 =	vadd.f32 v12, v10  }
0x95: {  	v12 =	vld [tilespmem:s30+$0x1B0];
	v16 =	vadd.f32 v0, v3;
	v17 =	vadd.f32 v1, v2  }
0x96: {  	v0 =	vld [tilespmem:s30+$0x1C0];
	v11 =	vadd.f32 v11, v8;
	v13 =	vadd.f32 v13, v9  }
0x97: {  	v1 =	vld [tilespmem:s30+$0x1D0]  }
0x98: {  	v8 =	vld [tilespmem:s30+$0x100]  }
0x99: {  	v9 =	vld [tilespmem:s30+$0x110]  }
0x9a: {  	v10 =	vld [tilespmem:s30+$0x120]  }
0x9b: {  	v19 =	vld [tilespmem:s30+$0x130]  }
0x9c: {  	v3 =	vld [tilespmem:s30+$0x140]  }
0x9d: {  	v2 =	vld [tilespmem:s30+$0x150]  }
0x9e: {  	v20 =	vld [tilespmem:s30+$0x80]  }
0x9f: {  	v21 =	vld [tilespmem:s30+$0x90]  }
0xa0: {  	v22 =	vld [tilespmem:s30+$0x0]  }
0xa1: {  	v23 =	vld [tilespmem:s30+$0x10]  }
0xa2: {  	v24 =	vld [tilespmem:s30+$0x20]  }
0xa3: {  	v25 =	vld [tilespmem:s30+$0x30]  }
0xa4: {  	v26 =	vld [tilespmem:s30+$0xA0]  }
0xa5: {  	v27 =	vld [tilespmem:s30+$0xB0]  }
0xa6: {  	v28 =	vld [tilespmem:s30+$0xC0]  }
0xa7: {  	v7 =	vadd.f32 v22, v7;
	v6 =	vadd.f32 v23, v6;
	v22 =	vld [tilespmem:s30+$0xD0]  }
0xa8: {  	v5 =	vadd.f32 v24, v5;
	v4 =	vadd.f32 v25, v4;
	v23 =	vld [tilespmem:s30+$0x40]  }
0xa9: {  	v7 =	vadd.f32 v20, v7;
	v6 =	vadd.f32 v21, v6;
	v24 =	vld [tilespmem:s30+$0x50]  }
0xaa: {  	v5 =	vadd.f32 v26, v5;
	v20 =	vld [tilespmem:s30+$0x60];
	v4 =	vadd.f32 v27, v4  }
0xab: {  	s29 =	sadd.s32 $0x4, s29;
	v7 =	vadd.f32 v8, v7;
	v6 =	vadd.f32 v9, v6;
	v21 =	vld [tilespmem:s30+$0x70]  }
0xac: {  	p0 =	slt.u32 s29, $0xC4;
	v5 =	vadd.f32 v10, v5;
	v8 =	vld [tilespmem:s30+$0xE0];
	v4 =	vadd.f32 v19, v4  }
.Ltmp1:
0xad: {  	v7 =	vadd.f32 v18, v7;
	v6 =	vadd.f32 v14, v6;
	v10 =	vld [tilespmem:s30+$0xF0];
	(pc) =	sbr.rel @p0 .LBB2_5-.Ltmp1, $4  }
0xae: {  	v5 =	vadd.f32 v15, v5;
	v9 =	vld [tilespmem:s30+$0x160];
	v4 =	vadd.f32 v12, v4  }
0xaf: {  	v16 =	vadd.f32 v23, v16;
	v18 =	vadd.f32 v24, v17;
	v12 =	vld [tilespmem:s30+$0x170]  }
0xb0: {  	v15 =	vadd.f32 v20, v11;
	v14 =	vadd.f32 v21, v13;
	v11 =	vld [tilespmem:s30+$0x1E0]  }
0xb1: {  	v17 =	vadd.f32 v28, v16;
	v16 =	vadd.f32 v22, v18;
	v13 =	vld [tilespmem:s30+$0x1F0];
	s30 =	sadd.s32 $0x200, s30  }
0xb2: {  	_ = 	snop  }
0xb3: {  	v8 =	vadd.f32 v8, v15;
	[tilespmem:s26+$0x1AC80] =	vst v7;
	v3 =	vadd.f32 v3, v17  }
0xb4: {  	v7 =	vadd.f32 v10, v14;
	[tilespmem:s26+$0x1AC90] =	vst v6;
	v2 =	vadd.f32 v2, v16  }
0xb5: {  	[tilespmem:s26+$0x1ACA0] =	vst v5;
	v6 =	vadd.f32 v9, v8;
	v0 =	vadd.f32 v0, v3  }
0xb6: {  	[tilespmem:s26+$0x1ACB0] =	vst v4;
	v3 =	vadd.f32 v12, v7;
	v1 =	vadd.f32 v1, v2  }
0xb7: {  	s29 =	sadd.s32 $0x4, s28;
	v2 =	vadd.f32 v11, v6;
	[tilespmem:s26+$0x1ACC0] =	vst v0  }
0xb8: {  	s30 =	sshll.u32 s29, $0x8;
	s29 =	sshll.u32 s29, $0x7;
	v0 =	vadd.f32 v13, v3;
	[tilespmem:s26+$0x1ACD0] =	vst v1  }
0xb9: {  	s30 =	sand.u32 $0x1F800, s30;
	s29 =	sand.u32 $0x380, s29;
	[tilespmem:s26+$0x1ACE0] =	vst v2  }
0xba: {  	s29 =	sor.u32 s29, s30;
	[tilespmem:s26+$0x1ACF0] =	vst v0  }
0xbb: {  	[tilespmem:s13], [sflag:$0x2] =	stream.indirect.gather [hbm4b:s2+s8], $0x80, s29, s8, $0xb8;
	[tilespmem:$0x1EC00] =	vst v63  }
0xbc: {  	s29 =	sor.u32 $0x400, s29  }
0xbd: {  	[tilespmem:s15], [sflag:$0x2] =	stream.indirect.gather [hbm4b:s2+s10], $0x80, s29, s10, $0xb8;
	[tilespmem:$0x1EC00] =	vst v63  }
0xbe: {  	_ =	swait.ge [sflag:s22], $0x6400  }
0xbf: {  	[sflag:s22] =	ssyncset.done $0x0  }
0xc0: {  	s30 =	simm.s32 $0x14800;
	[sflag:s22] =	ssyncadd.s32 $0xFFFF9C00  }
0xc1: {  	v4 =	vld [tilespmem:s30+$0x180]  }
0xc2: {  	v5 =	vld [tilespmem:s30+$0x190]  }
0xc3: {  	v11 =	vld [tilespmem:s30+$0x1A0]  }
0xc4: {  	v12 =	vld [tilespmem:s30+$0x1B0]  }
0xc5: {  	v0 =	vld [tilespmem:s30+$0x1C0]  }
0xc6: {  	v1 =	vld [tilespmem:s30+$0x1D0]  }
0xc7: {  	v6 =	vld [tilespmem:s30+$0x100]  }
0xc8: {  	v7 =	vld [tilespmem:s30+$0x110]  }
0xc9: {  	v9 =	vld [tilespmem:s30+$0x120]  }
0xca: {  	v10 =	vld [tilespmem:s30+$0x130]  }
0xcb: {  	v3 =	vld [tilespmem:s30+$0x140]  }
0xcc: {  	v2 =	vld [tilespmem:s30+$0x150]  }
0xcd: {  	v8 =	vld [tilespmem:s30+$0x80]  }
0xce: {  	v13 =	vld [tilespmem:s30+$0x90]  }
0xcf: {  	v14 =	vld [tilespmem:s30+$0x0]  }
0xd0: {  	v15 =	vld [tilespmem:s30+$0x10]  }
0xd1: {  	v16 =	vld [tilespmem:s30+$0x20]  }
0xd2: {  	v17 =	vld [tilespmem:s30+$0x30]  }
0xd3: {  	v18 =	vld [tilespmem:s30+$0xA0]  }
0xd4: {  	v19 =	vld [tilespmem:s30+$0xB0]  }
0xd5: {  	v20 =	vimm.f32 $0.0e+00;
	v21 =	vld [tilespmem:s30+$0xC0]  }
0xd6: {  	v22 =	vld [tilespmem:s30+$0xD0];
	v14 =	vadd.f32 v14, v20;
	v15 =	vadd.f32 v15, v20  }
0xd7: {  	v23 =	vld [tilespmem:s30+$0x40];
	v16 =	vadd.f32 v16, v20;
	v17 =	vadd.f32 v17, v20  }
0xd8: {  	v24 =	vld [tilespmem:s30+$0x50];
	v8 =	vadd.f32 v8, v14;
	v13 =	vadd.f32 v13, v15  }
0xd9: {  	v14 =	vld [tilespmem:s30+$0x60];
	v15 =	vadd.f32 v18, v16;
	v16 =	vadd.f32 v19, v17  }
0xda: {  	v17 =	vld [tilespmem:s30+$0x70];
	v6 =	vadd.f32 v6, v8;
	v13 =	vadd.f32 v7, v13  }
0xdb: {  	v8 =	vld [tilespmem:s30+$0xE0];
	v15 =	vadd.f32 v9, v15;
	v16 =	vadd.f32 v10, v16  }
0xdc: {  	v10 =	vld [tilespmem:s30+$0xF0];
	v7 =	vadd.f32 v4, v6;
	v6 =	vadd.f32 v5, v13  }
0xdd: {  	v9 =	vld [tilespmem:s30+$0x160];
	v5 =	vadd.f32 v11, v15;
	v4 =	vadd.f32 v12, v16  }
0xde: {  	v13 =	vadd.f32 v23, v20;
	v16 =	vadd.f32 v24, v20;
	v12 =	vld [tilespmem:s30+$0x170]  }
0xdf: {  	v11 =	vld [tilespmem:s30+$0x1E0];
	v15 =	vadd.f32 v14, v20;
	v14 =	vadd.f32 v17, v20  }
0xe0: {  	s29 =	simm.s32 $0x0;
	v17 =	vadd.f32 v21, v13;
	v16 =	vadd.f32 v22, v16;
	v13 =	vld [tilespmem:s30+$0x1F0];
	s30 =	simm.s32 $0x14A00  }
.LBB2_7:
0xe1: {  	v18 =	vld [tilespmem:s30+$0x180];
	v8 =	vadd.f32 v8, v15;
	v10 =	vadd.f32 v10, v14  }
0xe2: {  	v14 =	vld [tilespmem:s30+$0x190];
	v3 =	vadd.f32 v3, v17;
	v2 =	vadd.f32 v2, v16  }
0xe3: {  	v15 =	vld [tilespmem:s30+$0x1A0];
	v8 =	vadd.f32 v9, v8;
	v9 =	vadd.f32 v12, v10  }
0xe4: {  	v12 =	vld [tilespmem:s30+$0x1B0];
	v16 =	vadd.f32 v0, v3;
	v17 =	vadd.f32 v1, v2  }
0xe5: {  	v0 =	vld [tilespmem:s30+$0x1C0];
	v11 =	vadd.f32 v11, v8;
	v13 =	vadd.f32 v13, v9  }
0xe6: {  	v1 =	vld [tilespmem:s30+$0x1D0]  }
0xe7: {  	v8 =	vld [tilespmem:s30+$0x100]  }
0xe8: {  	v9 =	vld [tilespmem:s30+$0x110]  }
0xe9: {  	v10 =	vld [tilespmem:s30+$0x120]  }
0xea: {  	v19 =	vld [tilespmem:s30+$0x130]  }
0xeb: {  	v3 =	vld [tilespmem:s30+$0x140]  }
0xec: {  	v2 =	vld [tilespmem:s30+$0x150]  }
0xed: {  	v20 =	vld [tilespmem:s30+$0x80]  }
0xee: {  	v21 =	vld [tilespmem:s30+$0x90]  }
0xef: {  	v22 =	vld [tilespmem:s30+$0x0]  }
0xf0: {  	v23 =	vld [tilespmem:s30+$0x10]  }
0xf1: {  	v24 =	vld [tilespmem:s30+$0x20]  }
0xf2: {  	v25 =	vld [tilespmem:s30+$0x30]  }
0xf3: {  	v26 =	vld [tilespmem:s30+$0xA0]  }
0xf4: {  	v27 =	vld [tilespmem:s30+$0xB0]  }
0xf5: {  	v28 =	vld [tilespmem:s30+$0xC0]  }
0xf6: {  	v7 =	vadd.f32 v22, v7;
	v6 =	vadd.f32 v23, v6;
	v22 =	vld [tilespmem:s30+$0xD0]  }
0xf7: {  	v5 =	vadd.f32 v24, v5;
	v4 =	vadd.f32 v25, v4;
	v23 =	vld [tilespmem:s30+$0x40]  }
0xf8: {  	v7 =	vadd.f32 v20, v7;
	v6 =	vadd.f32 v21, v6;
	v24 =	vld [tilespmem:s30+$0x50]  }
0xf9: {  	v5 =	vadd.f32 v26, v5;
	v20 =	vld [tilespmem:s30+$0x60];
	v4 =	vadd.f32 v27, v4  }
0xfa: {  	s29 =	sadd.s32 $0x4, s29;
	v7 =	vadd.f32 v8, v7;
	v6 =	vadd.f32 v9, v6;
	v21 =	vld [tilespmem:s30+$0x70]  }
0xfb: {  	p0 =	slt.u32 s29, $0xC4;
	v5 =	vadd.f32 v10, v5;
	v8 =	vld [tilespmem:s30+$0xE0];
	v4 =	vadd.f32 v19, v4  }
.Ltmp2:
0xfc: {  	v7 =	vadd.f32 v18, v7;
	v6 =	vadd.f32 v14, v6;
	v10 =	vld [tilespmem:s30+$0xF0];
	(pc) =	sbr.rel @p0 .LBB2_7-.Ltmp2, $4  }
0xfd: {  	v5 =	vadd.f32 v15, v5;
	v9 =	vld [tilespmem:s30+$0x160];
	v4 =	vadd.f32 v12, v4  }
0xfe: {  	v16 =	vadd.f32 v23, v16;
	v18 =	vadd.f32 v24, v17;
	v12 =	vld [tilespmem:s30+$0x170]  }
0xff: {  	v15 =	vadd.f32 v20, v11;
	v14 =	vadd.f32 v21, v13;
	v11 =	vld [tilespmem:s30+$0x1E0]  }
0x100: {  	v17 =	vadd.f32 v28, v16;
	v16 =	vadd.f32 v22, v18;
	v13 =	vld [tilespmem:s30+$0x1F0];
	s30 =	sadd.s32 $0x200, s30  }
0x101: {  	_ = 	snop  }
0x102: {  	v8 =	vadd.f32 v8, v15;
	[tilespmem:s26+$0x1AD00] =	vst v7;
	v3 =	vadd.f32 v3, v17  }
0x103: {  	v59 =	vadd.f32 v10, v14;
	[tilespmem:s26+$0x1AD10] =	vst v6;
	v2 =	vadd.f32 v2, v16  }
0x104: {  	[tilespmem:s26+$0x1AD20] =	vst v5;
	p0 =	seq.s32 s25, $0x29;
	v60 =	vadd.f32 v9, v8;
	v0 =	vadd.f32 v0, v3  }
.Ltmp3:
0x105: {  	[tilespmem:s26+$0x1AD30] =	vst v4;
	v61 =	vadd.f32 v12, v59;
	v1 =	vadd.f32 v1, v2;
	(pc) =	sbr.rel @p0 .LBB2_10-.Ltmp3, $4  }
0x106: {  	v62 =	vadd.f32 v11, v60;
	[tilespmem:s26+$0x1AD40] =	vst v0  }
0x107: {  	v63 =	vadd.f32 v13, v61;
	[tilespmem:s26+$0x1AD50] =	vst v1  }
0x108: {  	[tilespmem:s26+$0x1AD60] =	vst v62  }
0x109: {  	[tilespmem:s26+$0x1AD70] =	vst v63  }
0x10a: {  	s26 =	sadd.s32 $0x5, s28  }
0x10b: {  	s28 =	sshll.u32 s26, $0x8;
	s26 =	sshll.u32 s26, $0x7  }
.Ltmp4:
0x10c: {  	s28 =	sand.u32 $0x1F800, s28;
	s26 =	sand.u32 $0x380, s26;
	(pc) =	sbr.rel .LBB2_2-.Ltmp4, $4  }
0x10d: {  	s26 =	sor.u32 s26, s28  }
0x10e: {  	[tilespmem:s17], [sflag:$0x3] =	stream.indirect.gather [hbm4b:s2+s8], $0x80, s26, s8, $0xb8;
	[tilespmem:$0x1EC00] =	vst v63  }
0x10f: {  	s25 =	sadd.s32 $0x1, s25;
	s26 =	sor.u32 $0x400, s26  }
0x110: {  	[tilespmem:s19], [sflag:$0x3] =	stream.indirect.gather [hbm4b:s2+s10], $0x80, s26, s10, $0xb8;
	[tilespmem:$0x1EC00] =	vst v63  }
.LBB2_10:
0x111: {  	_ =	swait.ge [sflag:s20], $0x6400  }
0x112: {  	[sflag:s20] =	ssyncset.done $0x0  }
0x113: {  	s26 =	simm.s32 $0x8100;
	[sflag:s20] =	ssyncadd.s32 $0xFFFF9C00  }
0x114: {  	v4 =	vld [tilespmem:s26+$0x80]  }
0x115: {  	v5 =	vld [tilespmem:s26+$0x90]  }
0x116: {  	v11 =	vld [tilespmem:s26+$0xA0]  }
0x117: {  	v12 =	vld [tilespmem:s26+$0xB0]  }
0x118: {  	v0 =	vld [tilespmem:s26+$0xC0]  }
0x119: {  	v1 =	vld [tilespmem:s26+$0xD0]  }
0x11a: {  	v6 =	vld [tilespmem:s26+$0x0]  }
0x11b: {  	v7 =	vld [tilespmem:s26+$0x10]  }
0x11c: {  	v9 =	vld [tilespmem:s26+$0x20]  }
0x11d: {  	v10 =	vld [tilespmem:s26+$0x30]  }
0x11e: {  	v3 =	vld [tilespmem:s26+$0x40]  }
0x11f: {  	v2 =	vld [tilespmem:s26+$0x50]  }
0x120: {  	v8 =	vld [tilespmem:s26+$0xFFFFFF80]  }
0x121: {  	v13 =	vld [tilespmem:s26+$0xFFFFFF90]  }
0x122: {  	v14 =	vld [tilespmem:s26+$0xFFFFFF00]  }
0x123: {  	v15 =	vld [tilespmem:s26+$0xFFFFFF10]  }
0x124: {  	v16 =	vld [tilespmem:s26+$0xFFFFFF20]  }
0x125: {  	v17 =	vld [tilespmem:s26+$0xFFFFFF30]  }
0x126: {  	v18 =	vld [tilespmem:s26+$0xFFFFFFA0]  }
0x127: {  	v19 =	vld [tilespmem:s26+$0xFFFFFFB0]  }
0x128: {  	v20 =	vimm.f32 $0.0e+00;
	v21 =	vld [tilespmem:s26+$0xFFFFFFC0]  }
0x129: {  	v22 =	vld [tilespmem:s26+$0xFFFFFFD0];
	v14 =	vadd.f32 v14, v20;
	v15 =	vadd.f32 v15, v20  }
0x12a: {  	v23 =	vld [tilespmem:s26+$0xFFFFFF40];
	v16 =	vadd.f32 v16, v20;
	v17 =	vadd.f32 v17, v20  }
0x12b: {  	v24 =	vld [tilespmem:s26+$0xFFFFFF50];
	v8 =	vadd.f32 v8, v14;
	v13 =	vadd.f32 v13, v15  }
0x12c: {  	v14 =	vld [tilespmem:s26+$0xFFFFFF60];
	v15 =	vadd.f32 v18, v16;
	v16 =	vadd.f32 v19, v17  }
0x12d: {  	v17 =	vld [tilespmem:s26+$0xFFFFFF70];
	v6 =	vadd.f32 v6, v8;
	v13 =	vadd.f32 v7, v13  }
0x12e: {  	v8 =	vld [tilespmem:s26+$0xFFFFFFE0];
	v15 =	vadd.f32 v9, v15;
	v16 =	vadd.f32 v10, v16  }
0x12f: {  	v10 =	vld [tilespmem:s26+$0xFFFFFFF0];
	v7 =	vadd.f32 v4, v6;
	v6 =	vadd.f32 v5, v13  }
0x130: {  	v9 =	vld [tilespmem:s26+$0x60];
	v5 =	vadd.f32 v11, v15;
	v4 =	vadd.f32 v12, v16  }
0x131: {  	v13 =	vadd.f32 v23, v20;
	v16 =	vadd.f32 v24, v20;
	v12 =	vld [tilespmem:s26+$0x70]  }
0x132: {  	v11 =	vld [tilespmem:s26+$0xE0];
	v15 =	vadd.f32 v14, v20;
	v14 =	vadd.f32 v17, v20  }
0x133: {  	s25 =	simm.s32 $0x0;
	v17 =	vadd.f32 v21, v13;
	v16 =	vadd.f32 v22, v16;
	v13 =	vld [tilespmem:s26+$0xF0];
	s26 =	simm.s32 $0x8300  }
.LBB2_11:
0x134: {  	v18 =	vld [tilespmem:s26+$0x80];
	v8 =	vadd.f32 v8, v15;
	v10 =	vadd.f32 v10, v14  }
0x135: {  	v14 =	vld [tilespmem:s26+$0x90];
	v3 =	vadd.f32 v3, v17;
	v2 =	vadd.f32 v2, v16  }
0x136: {  	v15 =	vld [tilespmem:s26+$0xA0];
	v8 =	vadd.f32 v9, v8;
	v9 =	vadd.f32 v12, v10  }
0x137: {  	v12 =	vld [tilespmem:s26+$0xB0];
	v16 =	vadd.f32 v0, v3;
	v17 =	vadd.f32 v1, v2  }
0x138: {  	v0 =	vld [tilespmem:s26+$0xC0];
	v11 =	vadd.f32 v11, v8;
	v13 =	vadd.f32 v13, v9  }
0x139: {  	v1 =	vld [tilespmem:s26+$0xD0]  }
0x13a: {  	v8 =	vld [tilespmem:s26+$0x0]  }
0x13b: {  	v9 =	vld [tilespmem:s26+$0x10]  }
0x13c: {  	v10 =	vld [tilespmem:s26+$0x20]  }
0x13d: {  	v19 =	vld [tilespmem:s26+$0x30]  }
0x13e: {  	v3 =	vld [tilespmem:s26+$0x40]  }
0x13f: {  	v2 =	vld [tilespmem:s26+$0x50]  }
0x140: {  	v20 =	vld [tilespmem:s26+$0xFFFFFF80]  }
0x141: {  	v21 =	vld [tilespmem:s26+$0xFFFFFF90]  }
0x142: {  	v22 =	vld [tilespmem:s26+$0xFFFFFF00]  }
0x143: {  	v23 =	vld [tilespmem:s26+$0xFFFFFF10]  }
0x144: {  	v24 =	vld [tilespmem:s26+$0xFFFFFF20]  }
0x145: {  	v25 =	vld [tilespmem:s26+$0xFFFFFF30]  }
0x146: {  	v26 =	vld [tilespmem:s26+$0xFFFFFFA0]  }
0x147: {  	v27 =	vld [tilespmem:s26+$0xFFFFFFB0]  }
0x148: {  	v28 =	vld [tilespmem:s26+$0xFFFFFFC0]  }
0x149: {  	v7 =	vadd.f32 v22, v7;
	v6 =	vadd.f32 v23, v6;
	v22 =	vld [tilespmem:s26+$0xFFFFFFD0]  }
0x14a: {  	v5 =	vadd.f32 v24, v5;
	v4 =	vadd.f32 v25, v4;
	v23 =	vld [tilespmem:s26+$0xFFFFFF40]  }
0x14b: {  	v7 =	vadd.f32 v20, v7;
	v6 =	vadd.f32 v21, v6;
	v24 =	vld [tilespmem:s26+$0xFFFFFF50]  }
0x14c: {  	v5 =	vadd.f32 v26, v5;
	v20 =	vld [tilespmem:s26+$0xFFFFFF60];
	v4 =	vadd.f32 v27, v4  }
0x14d: {  	s25 =	sadd.s32 $0x4, s25;
	v7 =	vadd.f32 v8, v7;
	v6 =	vadd.f32 v9, v6;
	v21 =	vld [tilespmem:s26+$0xFFFFFF70]  }
0x14e: {  	p0 =	slt.u32 s25, $0xC4;
	v5 =	vadd.f32 v10, v5;
	v8 =	vld [tilespmem:s26+$0xFFFFFFE0];
	v4 =	vadd.f32 v19, v4  }
.Ltmp5:
0x14f: {  	v7 =	vadd.f32 v18, v7;
	v6 =	vadd.f32 v14, v6;
	v10 =	vld [tilespmem:s26+$0xFFFFFFF0];
	(pc) =	sbr.rel @p0 .LBB2_11-.Ltmp5, $4  }
0x150: {  	v5 =	vadd.f32 v15, v5;
	v9 =	vld [tilespmem:s26+$0x60];
	v4 =	vadd.f32 v12, v4  }
0x151: {  	v16 =	vadd.f32 v23, v16;
	v18 =	vadd.f32 v24, v17;
	v12 =	vld [tilespmem:s26+$0x70]  }
0x152: {  	v15 =	vadd.f32 v20, v11;
	v14 =	vadd.f32 v21, v13;
	v11 =	vld [tilespmem:s26+$0xE0]  }
0x153: {  	v17 =	vadd.f32 v28, v16;
	v16 =	vadd.f32 v22, v18;
	v13 =	vld [tilespmem:s26+$0xF0];
	s26 =	sadd.s32 $0x200, s26  }
0x154: {  	_ = 	snop  }
0x155: {  	v8 =	vadd.f32 v8, v15;
	[tilespmem:$0x1EB00] =	vst v7;
	v3 =	vadd.f32 v3, v17  }
0x156: {  	v7 =	vadd.f32 v10, v14;
	[tilespmem:$0x1EB10] =	vst v6;
	v2 =	vadd.f32 v2, v16  }
0x157: {  	[tilespmem:$0x1EB20] =	vst v5;
	v6 =	vadd.f32 v9, v8;
	v0 =	vadd.f32 v0, v3  }
0x158: {  	[tilespmem:$0x1EB30] =	vst v4;
	v3 =	vadd.f32 v12, v7;
	v1 =	vadd.f32 v1, v2  }
0x159: {  	v2 =	vadd.f32 v11, v6;
	[tilespmem:$0x1EB40] =	vst v0  }
0x15a: {  	v0 =	vadd.f32 v13, v3;
	[tilespmem:$0x1EB50] =	vst v1  }
0x15b: {  	[tilespmem:$0x1EB60] =	vst v2  }
0x15c: {  	[tilespmem:$0x1EB70] =	vst v0  }
0x15d: {  	_ =	swait.ge [sflag:s21], $0x6400  }
0x15e: {  	[sflag:s21] =	ssyncset.done $0x0  }
0x15f: {  	s26 =	simm.s32 $0xE400;
	[sflag:s21] =	ssyncadd.s32 $0xFFFF9C00  }
0x160: {  	v4 =	vld [tilespmem:s26+$0x180]  }
0x161: {  	v5 =	vld [tilespmem:s26+$0x190]  }
0x162: {  	v11 =	vld [tilespmem:s26+$0x1A0]  }
0x163: {  	v12 =	vld [tilespmem:s26+$0x1B0]  }
0x164: {  	v0 =	vld [tilespmem:s26+$0x1C0]  }
0x165: {  	v1 =	vld [tilespmem:s26+$0x1D0]  }
0x166: {  	v6 =	vld [tilespmem:s26+$0x100]  }
0x167: {  	v7 =	vld [tilespmem:s26+$0x110]  }
0x168: {  	v9 =	vld [tilespmem:s26+$0x120]  }
0x169: {  	v10 =	vld [tilespmem:s26+$0x130]  }
0x16a: {  	v3 =	vld [tilespmem:s26+$0x140]  }
0x16b: {  	v2 =	vld [tilespmem:s26+$0x150]  }
0x16c: {  	v8 =	vld [tilespmem:s26+$0x80]  }
0x16d: {  	v13 =	vld [tilespmem:s26+$0x90]  }
0x16e: {  	v14 =	vld [tilespmem:s26+$0x0]  }
0x16f: {  	v15 =	vld [tilespmem:s26+$0x10]  }
0x170: {  	v16 =	vld [tilespmem:s26+$0x20]  }
0x171: {  	v17 =	vld [tilespmem:s26+$0x30]  }
0x172: {  	v18 =	vld [tilespmem:s26+$0xA0]  }
0x173: {  	v19 =	vld [tilespmem:s26+$0xB0]  }
0x174: {  	v20 =	vimm.f32 $0.0e+00;
	v21 =	vld [tilespmem:s26+$0xC0]  }
0x175: {  	v22 =	vld [tilespmem:s26+$0xD0];
	v14 =	vadd.f32 v14, v20;
	v15 =	vadd.f32 v15, v20  }
0x176: {  	v23 =	vld [tilespmem:s26+$0x40];
	v16 =	vadd.f32 v16, v20;
	v17 =	vadd.f32 v17, v20  }
0x177: {  	v24 =	vld [tilespmem:s26+$0x50];
	v8 =	vadd.f32 v8, v14;
	v13 =	vadd.f32 v13, v15  }
0x178: {  	v14 =	vld [tilespmem:s26+$0x60];
	v15 =	vadd.f32 v18, v16;
	v16 =	vadd.f32 v19, v17  }
0x179: {  	v17 =	vld [tilespmem:s26+$0x70];
	v6 =	vadd.f32 v6, v8;
	v13 =	vadd.f32 v7, v13  }
0x17a: {  	v8 =	vld [tilespmem:s26+$0xE0];
	v15 =	vadd.f32 v9, v15;
	v16 =	vadd.f32 v10, v16  }
0x17b: {  	v10 =	vld [tilespmem:s26+$0xF0];
	v7 =	vadd.f32 v4, v6;
	v6 =	vadd.f32 v5, v13  }
0x17c: {  	v9 =	vld [tilespmem:s26+$0x160];
	v5 =	vadd.f32 v11, v15;
	v4 =	vadd.f32 v12, v16  }
0x17d: {  	v13 =	vadd.f32 v23, v20;
	v16 =	vadd.f32 v24, v20;
	v12 =	vld [tilespmem:s26+$0x170]  }
0x17e: {  	v11 =	vld [tilespmem:s26+$0x1E0];
	v15 =	vadd.f32 v14, v20;
	v14 =	vadd.f32 v17, v20  }
0x17f: {  	s25 =	simm.s32 $0x0;
	v17 =	vadd.f32 v21, v13;
	v16 =	vadd.f32 v22, v16;
	v13 =	vld [tilespmem:s26+$0x1F0];
	s26 =	simm.s32 $0xE600  }
.LBB2_13:
0x180: {  	v18 =	vld [tilespmem:s26+$0x180];
	v8 =	vadd.f32 v8, v15;
	v10 =	vadd.f32 v10, v14  }
0x181: {  	v14 =	vld [tilespmem:s26+$0x190];
	v3 =	vadd.f32 v3, v17;
	v2 =	vadd.f32 v2, v16  }
0x182: {  	v15 =	vld [tilespmem:s26+$0x1A0];
	v8 =	vadd.f32 v9, v8;
	v9 =	vadd.f32 v12, v10  }
0x183: {  	v12 =	vld [tilespmem:s26+$0x1B0];
	v16 =	vadd.f32 v0, v3;
	v17 =	vadd.f32 v1, v2  }
0x184: {  	v0 =	vld [tilespmem:s26+$0x1C0];
	v11 =	vadd.f32 v11, v8;
	v13 =	vadd.f32 v13, v9  }
0x185: {  	v1 =	vld [tilespmem:s26+$0x1D0]  }
0x186: {  	v8 =	vld [tilespmem:s26+$0x100]  }
0x187: {  	v9 =	vld [tilespmem:s26+$0x110]  }
0x188: {  	v10 =	vld [tilespmem:s26+$0x120]  }
0x189: {  	v19 =	vld [tilespmem:s26+$0x130]  }
0x18a: {  	v3 =	vld [tilespmem:s26+$0x140]  }
0x18b: {  	v2 =	vld [tilespmem:s26+$0x150]  }
0x18c: {  	v20 =	vld [tilespmem:s26+$0x80]  }
0x18d: {  	v21 =	vld [tilespmem:s26+$0x90]  }
0x18e: {  	v22 =	vld [tilespmem:s26+$0x0]  }
0x18f: {  	v23 =	vld [tilespmem:s26+$0x10]  }
0x190: {  	v24 =	vld [tilespmem:s26+$0x20]  }
0x191: {  	v25 =	vld [tilespmem:s26+$0x30]  }
0x192: {  	v26 =	vld [tilespmem:s26+$0xA0]  }
0x193: {  	v27 =	vld [tilespmem:s26+$0xB0]  }
0x194: {  	v28 =	vld [tilespmem:s26+$0xC0]  }
0x195: {  	v7 =	vadd.f32 v22, v7;
	v6 =	vadd.f32 v23, v6;
	v22 =	vld [tilespmem:s26+$0xD0]  }
0x196: {  	v5 =	vadd.f32 v24, v5;
	v4 =	vadd.f32 v25, v4;
	v23 =	vld [tilespmem:s26+$0x40]  }
0x197: {  	v7 =	vadd.f32 v20, v7;
	v6 =	vadd.f32 v21, v6;
	v24 =	vld [tilespmem:s26+$0x50]  }
0x198: {  	v5 =	vadd.f32 v26, v5;
	v20 =	vld [tilespmem:s26+$0x60];
	v4 =	vadd.f32 v27, v4  }
0x199: {  	s25 =	sadd.s32 $0x4, s25;
	v7 =	vadd.f32 v8, v7;
	v6 =	vadd.f32 v9, v6;
	v21 =	vld [tilespmem:s26+$0x70]  }
0x19a: {  	p0 =	slt.u32 s25, $0xC4;
	v5 =	vadd.f32 v10, v5;
	v8 =	vld [tilespmem:s26+$0xE0];
	v4 =	vadd.f32 v19, v4  }
.Ltmp6:
0x19b: {  	v7 =	vadd.f32 v18, v7;
	v6 =	vadd.f32 v14, v6;
	v10 =	vld [tilespmem:s26+$0xF0];
	(pc) =	sbr.rel @p0 .LBB2_13-.Ltmp6, $4  }
0x19c: {  	v5 =	vadd.f32 v15, v5;
	v9 =	vld [tilespmem:s26+$0x160];
	v4 =	vadd.f32 v12, v4  }
0x19d: {  	v16 =	vadd.f32 v23, v16;
	v18 =	vadd.f32 v24, v17;
	v12 =	vld [tilespmem:s26+$0x170]  }
0x19e: {  	v15 =	vadd.f32 v20, v11;
	v14 =	vadd.f32 v21, v13;
	v11 =	vld [tilespmem:s26+$0x1E0]  }
0x19f: {  	v17 =	vadd.f32 v28, v16;
	v16 =	vadd.f32 v22, v18;
	v13 =	vld [tilespmem:s26+$0x1F0];
	s26 =	sadd.s32 $0x200, s26  }
0x1a0: {  	_ = 	snop  }
0x1a1: {  	v8 =	vadd.f32 v8, v15;
	[tilespmem:$0x1EB80] =	vst v7;
	v3 =	vadd.f32 v3, v17  }
0x1a2: {  	v59 =	vadd.f32 v10, v14;
	[tilespmem:$0x1EB90] =	vst v6;
	v2 =	vadd.f32 v2, v16  }
0x1a3: {  	[tilespmem:$0x1EBA0] =	vst v5;
	v60 =	vadd.f32 v9, v8;
	v0 =	vadd.f32 v0, v3  }
0x1a4: {  	[tilespmem:$0x1EBB0] =	vst v4;
	v61 =	vadd.f32 v12, v59;
	v1 =	vadd.f32 v1, v2  }
0x1a5: {  	v62 =	vadd.f32 v11, v60;
	[tilespmem:$0x1EBC0] =	vst v0  }
0x1a6: {  	s24 =	sadd.s32 $0x1, s24;
	v63 =	vadd.f32 v13, v61;
	[tilespmem:$0x1EBD0] =	vst v1  }
0x1a7: {  	p0 =	sne.s32 s24, s6;
	[tilespmem:$0x1EBE0] =	vst v62  }
.Ltmp7:
0x1a8: {  	[tilespmem:$0x1EBF0] =	vst v63;
	(pc) =	sbr.rel @p0 .LBB2_1-.Ltmp7, $4  }
0x1a9: {  	[hbm4b:s5+s3] =	stream.linear.scatter [tilespmem:s23], [sflag:$0x4], $0x4000, $0x38;
	[tilespmem:$0x1EC00] =	vst v63  }
0x1aa: {  	_ =	swait.ge [sflag:s7], $0x4000  }
0x1ab: {  	[sflag:s7] =	ssyncset.done $0x0  }
0x1ac: {  	[sflag:s7] =	ssyncadd.s32 $0xFFFFC000  }
0x1ad: {  	_ =	sfence.sel $0x180000  }
0x1ae: {  	[bflag:$0x0] =	sbarrier.arrive $0xFFFF  }
0x1af: {  	p0 =	sne.s32 s1, $0x0;
	_ =	strace $0x90000047  }
0x1b0: {  	s0 =	sadd.s32 @!p0 $0x100000, s0;
	[bflag:$0x2] =	sbarrier.arrive $0xFFFF  }
0x1b1: {  	[sflag:s0] =	ssyncadd.tile.s32 @!p0 $0x1;
	_ =	shalt  }
.Lfunc_end2:
_tile_overlayer_lowered:
.L_overlay_start_2:
0x1b2: {  	(tag) =	ssettag $0x2  }
0x1b3: {  	s0 =	rddreg [dreg:$0x0];
	s2 =	stileid.u32  }
0x1b4: {  	s1 =	rddreg [dreg:$0x1];
	p0 =	sne.s32 s2, $0x0  }
0x1b5: {  	s3 =	rddreg [dreg:$0x2];
	[bflag:$0x3] =	sbarrier.arrive $0xFFFF;
	s2 =	simm.s32 @!p0 $0x1C04  }
0x1b6: {  	[timem:s3], [sflag:s2] =	dma.local @!p0 [hbm:s0], s1  }
0x1b7: {  	s0 =	simm.s32 @!p0 $0x4  }
0x1b8: {  	_ =	swait.ge @!p0 [sflag:s0], s1  }
0x1b9: {  	s1 =	ssub.s32 @!p0 $0x0, s1;
	[sflag:s0] =	ssyncset.done @!p0 $0x0  }
0x1ba: {  	[sflag:s0] =	ssyncadd.s32 @!p0 s1  }
0x1bb: {  	[bflag:$0x3] =	sbarrier.arrive $0xFFFF  }
0x1bc: {  	_ =	shalt  }

</sc_bundles>
